<compile_context>
chip_gen: v7x
topology: tpu7x:2x2x1
jax: 0.10.2.dev20260603
libtpu: 0.0.44.dev20260713+nightly
codegen_flags: <defaults>
</compile_context>

<pallas_src>
import jax
import jax.numpy as jnp
from jax import lax
from jax.experimental import pallas as pl
from jax.experimental.pallas import tpu as pltpu
from jax.experimental.pallas import tpu_sc as plsc

B, S, D = 4096, 200, 128
BS = B * S
NC, NS, L = 2, 16, 16
NW = NC * NS
PW = BS // NW
CH = 64
NIT = PW // CH


def _body(xf, t0, t1, t2, t3, out, xbuf, ibuf, rbuf,
          s0, s1, s2, s3, xsem, gsem, osem):
    sid = lax.axis_index("s")
    wid = sid * NC + lax.axis_index("c")
    base = wid * PW
    tabs = (t0, t1, t2, t3)
    shtabs = (s0, s1, s2, s3)

    bounds = (0, 256, 512, 768, 1000)
    for t in range(4):
        for q in range(4):
            @pl.when(sid == q * 4 + t)
            def _(t=t, q=q):
                lo, hi = bounds[q], bounds[q + 1]
                pltpu.sync_copy(
                    tabs[t].at[pl.ds(lo, hi - lo)],
                    shtabs[t].at[pl.ds(lo, hi - lo)],
                )
    plsc.subcore_barrier()

    def fire_x(j, p):
        pltpu.async_copy(
            xf.at[pl.ds((base + j * CH) * 4, CH * 4)], xbuf.at[p], xsem.at[p]
        )

    def wait_x(p):
        pltpu.make_async_copy(
            xf.at[pl.ds(base * 4, CH * 4)], xbuf.at[p], xsem.at[p]
        ).wait()

    def fire_gathers(p):
        for t in range(4):
            pltpu.async_copy(
                shtabs[t].at[ibuf.at[p, t]], rbuf.at[p, t], gsem.at[p]
            )

    def wait_gathers(p):
        for t in range(4):
            pltpu.make_async_copy(
                shtabs[t].at[ibuf.at[p, t]], rbuf.at[p, t], gsem.at[p]
            ).wait()

    def fire_out(j, p):
        pltpu.async_copy(
            rbuf.at[p, 0], out.at[pl.ds(base + j * CH, CH)], osem.at[p]
        )

    def wait_out(p):
        pltpu.make_async_copy(
            rbuf.at[p, 0], out.at[pl.ds(base, CH)], osem.at[p]
        ).wait()

    def deint_fire(j, p):
        wait_x(p)

        @plsc.parallel_loop(0, CH // L, unroll=2)
        def _(k):
            lanes = lax.iota(jnp.int32, L) * 4 + k * (4 * L)
            pvec = jnp.broadcast_to(p, (L,)).astype(jnp.int32)
            for t in range(4):
                v = plsc.load_gather(xbuf, [pvec, lanes + t])
                ibuf[p, t, pl.ds(k * L, L)] = v

        @pl.when(j >= 2)
        def _():
            wait_out(p)

        fire_gathers(p)

    def accum_out(j, p):
        wait_gathers(p)

        @plsc.parallel_loop(0, CH, unroll=4)
        def _(r):
            for l in range(D // L):
                s = pl.ds(l * L, L)
                v = rbuf[p, 1, r, s] + rbuf[p, 2, r, s] + rbuf[p, 3, r, s]
                plsc.addupdate(rbuf.at[p, 0, r, s], v)

        fire_out(j, p)

    fire_x(0, 0)
    fire_x(1, 1)
    deint_fire(0, 0)

    def step(i, _):
        p = lax.rem(i, 2)

        @pl.when(i + 2 < NIT)
        def _():
            fire_x(i + 2, p)

        @pl.when(i + 1 < NIT)
        def _():
            deint_fire(i + 1, 1 - p)

        accum_out(i, p)
        return 0

    lax.fori_loop(0, NIT, step, 0)
    wait_out(0)
    wait_out(1)


@jax.jit
def kernel(x, onset_table, medial_table, nucleus_table, coda_table):
    xf = x.reshape(-1)
    mesh = plsc.VectorSubcoreMesh(core_axis_name="c", subcore_axis_name="s")
    kfn = pl.kernel(
        _body,
        out_type=jax.ShapeDtypeStruct((BS, D), jnp.float32),
        mesh=mesh,
        compiler_params=pltpu.CompilerParams(needs_layout_passes=False),
        scratch_types=[
            pltpu.VMEM((2, CH * 4), jnp.int32),
            pltpu.VMEM((2, 4, CH), jnp.int32),
            pltpu.VMEM((2, 4, CH, D), jnp.float32),
            pltpu.VMEM_SHARED((1000, D), jnp.float32),
            pltpu.VMEM_SHARED((1000, D), jnp.float32),
            pltpu.VMEM_SHARED((1000, D), jnp.float32),
            pltpu.VMEM_SHARED((1000, D), jnp.float32),
            pltpu.SemaphoreType.DMA((2,)),
            pltpu.SemaphoreType.DMA((2,)),
            pltpu.SemaphoreType.DMA((2,)),
        ],
    )
    out = kfn(xf, onset_table, medial_table, nucleus_table, coda_table)
    return out.reshape(B, S, D)

# --- scband reference (transcript-rebuilt; emitter-appended) ---
"""Pipeline reference for scband-phoneme-embedding-16054587752665 (READ-ONLY COPY).

The authoritative reference and input builder live on the scoring server;
editing this copy changes nothing except your own understanding.
"""

import jax, jax.numpy as jnp
import numpy as np

B, S = 4096, 200
VO = VM = VN = VC = 1000
D = 128
PAD = 0


def setup_inputs(seed: int = 0) -> dict:
    key = jax.random.key(seed)
    k0, k1, k2, k3, k4 = jax.random.split(key, 5)
    x = jax.random.randint(k0, (B, S, 4), 0, VO, dtype=jnp.int32)
    onset_table = jax.random.normal(k1, (VO, D), dtype=jnp.float32) * 0.02
    medial_table = jax.random.normal(k2, (VM, D), dtype=jnp.float32) * 0.02
    nucleus_table = jax.random.normal(k3, (VN, D), dtype=jnp.float32) * 0.02
    coda_table = jax.random.normal(k4, (VC, D), dtype=jnp.float32) * 0.02
    # emulate nn.Embedding padding_idx=0: row 0 is zero
    onset_table = onset_table.at[PAD].set(0.0)
    medial_table = medial_table.at[PAD].set(0.0)
    nucleus_table = nucleus_table.at[PAD].set(0.0)
    coda_table = coda_table.at[PAD].set(0.0)
    return {
        "x": x,
        "onset_table": onset_table,
        "medial_table": medial_table,
        "nucleus_table": nucleus_table,
        "coda_table": coda_table,
    }


def reference(x, onset_table, medial_table, nucleus_table, coda_table):
    onset_input = x[..., 0]
    medial_input = x[..., 1]
    nucleus_input = x[..., 2]
    coda_input = x[..., 3]
    onset_vec = jnp.take(onset_table, onset_input, axis=0)
    medial_vec = jnp.take(medial_table, medial_input, axis=0)
    nucleus_vec = jnp.take(nucleus_table, nucleus_input, axis=0)
    coda_vec = jnp.take(coda_table, coda_input, axis=0)
    final_embedding = onset_vec + medial_vec + nucleus_vec + coda_vec
    return final_embedding

if __name__ == "__main__":
    import jax
    _d = setup_inputs()
    print(jax.jit(kernel)(*tuple(_d.values())))

</pallas_src>

<mosaic_0001>
#map = affine_map<(d0, d1) -> (0)>
#map1 = affine_map<(d0, d1) -> (0, 0)>
module attributes {stable_mosaic.version = 14 : i64} {
  func.func @_body(%arg0: i32, %arg1: i32, %arg2: memref<3276800xi32, #tpu.memory_space<hbm>>, %arg3: memref<1000x128xf32, #tpu.memory_space<hbm>>, %arg4: memref<1000x128xf32, #tpu.memory_space<hbm>>, %arg5: memref<1000x128xf32, #tpu.memory_space<hbm>>, %arg6: memref<1000x128xf32, #tpu.memory_space<hbm>>, %arg7: memref<819200x128xf32, #tpu.memory_space<hbm>>, %arg8: memref<2x256xi32, #tpu.memory_space<vmem>>, %arg9: memref<2x4x64xi32, #tpu.memory_space<vmem>>, %arg10: memref<2x4x64x128xf32, #tpu.memory_space<vmem>>, %arg11: memref<1000x128xf32, #tpu.memory_space<vmem_shared>>, %arg12: memref<1000x128xf32, #tpu.memory_space<vmem_shared>>, %arg13: memref<1000x128xf32, #tpu.memory_space<vmem_shared>>, %arg14: memref<1000x128xf32, #tpu.memory_space<vmem_shared>>, %arg15: memref<2x!tpu.dma_semaphore, #tpu.memory_space<semaphore_mem>>, %arg16: memref<2x!tpu.dma_semaphore, #tpu.memory_space<semaphore_mem>>, %arg17: memref<2x!tpu.dma_semaphore, #tpu.memory_space<semaphore_mem>>) attributes {dimension_semantics = [#tpu.dimension_semantics<core_parallel>, #tpu.dimension_semantics<subcore_parallel>], iteration_bounds = array<i64: 2, 16>, scalar_prefetch = 0 : i64, scratch_operands = 10 : i64, tpu.core_type = #tpu.core_type<sc_vector_subcore>, window_params = [{transform_indices = #map}, {transform_indices = #map1}, {transform_indices = #map1}, {transform_indices = #map1}, {transform_indices = #map1}, {transform_indices = #map1}]} {
    %mul3A = arith.constant 2 : i32
    %mul3A_0 = arith.muli %arg1, %mul3A : i32
    %add3A = arith.addi %mul3A_0, %arg0 : i32
    %mul3A_1 = arith.constant 25600 : i32
    %mul3A_2 = arith.muli %add3A, %mul3A_1 : i32
    %eq3A = arith.constant 0 : i32
    %eq3A_3 = arith.cmpi eq, %arg1, %eq3A : i32
    %convert_element_type3A = arith.extui %eq3A_3 : i1 to i32
    %cond3A = arith.constant 0 : i32
    %cond3A_4 = arith.cmpi ne, %convert_element_type3A, %cond3A : i32
    scf.if %cond3A_4 {
      "tpu.region"() ({
        %run_scoped3A = tpu.sem_alloc : memref<!tpu.dma_semaphore, #tpu.memory_space<semaphore_mem>>
        %dma_start3A_234 = arith.constant 0 : i32
        %dma_start3A_235 = arith.constant 0 : i32
        %dma_start3A_236 = tpu.memref_slice %arg11[%dma_start3A_234, %dma_start3A_235] : memref<1000x128xf32, #tpu.memory_space<vmem_shared>> -> memref<256x128xf32, #tpu.memory_space<vmem_shared>>
        %dma_start3A_237 = arith.constant 0 : i32
        %dma_start3A_238 = arith.constant 0 : i32
        %dma_start3A_239 = tpu.memref_slice %arg3[%dma_start3A_237, %dma_start3A_238] : memref<1000x128xf32, #tpu.memory_space<hbm>> -> memref<256x128xf32, #tpu.memory_space<hbm>>
        tpu.enqueue_dma source(%dma_start3A_239 : memref<256x128xf32, #tpu.memory_space<hbm>>) target(%dma_start3A_236 : memref<256x128xf32, #tpu.memory_space<vmem_shared>>) target_semaphore(%run_scoped3A : memref<!tpu.dma_semaphore, #tpu.memory_space<semaphore_mem>>)
        %dma_wait3A_240 = arith.constant 0 : i32
        %dma_wait3A_241 = arith.constant 0 : i32
        %dma_wait3A_242 = tpu.memref_slice %arg11[%dma_wait3A_240, %dma_wait3A_241] : memref<1000x128xf32, #tpu.memory_space<vmem_shared>> -> memref<256x128xf32, #tpu.memory_space<vmem_shared>>
        %dma_wait3A_243 = arith.constant 0 : i32
        %dma_wait3A_244 = arith.constant 0 : i32
        %dma_wait3A_245 = tpu.memref_slice %arg3[%dma_wait3A_243, %dma_wait3A_244] : memref<1000x128xf32, #tpu.memory_space<hbm>> -> memref<256x128xf32, #tpu.memory_space<hbm>>
        tpu.wait_dma2 semaphore(%run_scoped3A : memref<!tpu.dma_semaphore, #tpu.memory_space<semaphore_mem>>) src(%dma_wait3A_245 : memref<256x128xf32, #tpu.memory_space<hbm>>) dst(%dma_wait3A_242 : memref<256x128xf32, #tpu.memory_space<vmem_shared>>)
        tpu.yield
      }) : () -> ()
    } else {
    }
    %eq3A_5 = arith.constant 4 : i32
    %eq3A_6 = arith.cmpi eq, %arg1, %eq3A_5 : i32
    %convert_element_type3A_7 = arith.extui %eq3A_6 : i1 to i32
    %cond3A_8 = arith.constant 0 : i32
    %cond3A_9 = arith.cmpi ne, %convert_element_type3A_7, %cond3A_8 : i32
    scf.if %cond3A_9 {
      "tpu.region"() ({
        %run_scoped3A = tpu.sem_alloc : memref<!tpu.dma_semaphore, #tpu.memory_space<semaphore_mem>>
        %dma_start3A_234 = arith.constant 256 : i32
        %dma_start3A_235 = arith.constant 0 : i32
        %dma_start3A_236 = tpu.memref_slice %arg11[%dma_start3A_234, %dma_start3A_235] : memref<1000x128xf32, #tpu.memory_space<vmem_shared>> -> memref<256x128xf32, #tpu.memory_space<vmem_shared>>
        %dma_start3A_237 = arith.constant 256 : i32
        %dma_start3A_238 = arith.constant 0 : i32
        %dma_start3A_239 = tpu.memref_slice %arg3[%dma_start3A_237, %dma_start3A_238] : memref<1000x128xf32, #tpu.memory_space<hbm>> -> memref<256x128xf32, #tpu.memory_space<hbm>>
        tpu.enqueue_dma source(%dma_start3A_239 : memref<256x128xf32, #tpu.memory_space<hbm>>) target(%dma_start3A_236 : memref<256x128xf32, #tpu.memory_space<vmem_shared>>) target_semaphore(%run_scoped3A : memref<!tpu.dma_semaphore, #tpu.memory_space<semaphore_mem>>)
        %dma_wait3A_240 = arith.constant 256 : i32
        %dma_wait3A_241 = arith.constant 0 : i32
        %dma_wait3A_242 = tpu.memref_slice %arg11[%dma_wait3A_240, %dma_wait3A_241] : memref<1000x128xf32, #tpu.memory_space<vmem_shared>> -> memref<256x128xf32, #tpu.memory_space<vmem_shared>>
        %dma_wait3A_243 = arith.constant 256 : i32
        %dma_wait3A_244 = arith.constant 0 : i32
        %dma_wait3A_245 = tpu.memref_slice %arg3[%dma_wait3A_243, %dma_wait3A_244] : memref<1000x128xf32, #tpu.memory_space<hbm>> -> memref<256x128xf32, #tpu.memory_space<hbm>>
        tpu.wait_dma2 semaphore(%run_scoped3A : memref<!tpu.dma_semaphore, #tpu.memory_space<semaphore_mem>>) src(%dma_wait3A_245 : memref<256x128xf32, #tpu.memory_space<hbm>>) dst(%dma_wait3A_242 : memref<256x128xf32, #tpu.memory_space<vmem_shared>>)
        tpu.yield
      }) : () -> ()
    } else {
    }
    %eq3A_10 = arith.constant 8 : i32
    %eq3A_11 = arith.cmpi eq, %arg1, %eq3A_10 : i32
    %convert_element_type3A_12 = arith.extui %eq3A_11 : i1 to i32
    %cond3A_13 = arith.constant 0 : i32
    %cond3A_14 = arith.cmpi ne, %convert_element_type3A_12, %cond3A_13 : i32
    scf.if %cond3A_14 {
      "tpu.region"() ({
        %run_scoped3A = tpu.sem_alloc : memref<!tpu.dma_semaphore, #tpu.memory_space<semaphore_mem>>
        %dma_start3A_234 = arith.constant 512 : i32
        %dma_start3A_235 = arith.constant 0 : i32
        %dma_start3A_236 = tpu.memref_slice %arg11[%dma_start3A_234, %dma_start3A_235] : memref<1000x128xf32, #tpu.memory_space<vmem_shared>> -> memref<256x128xf32, #tpu.memory_space<vmem_shared>>
        %dma_start3A_237 = arith.constant 512 : i32
        %dma_start3A_238 = arith.constant 0 : i32
        %dma_start3A_239 = tpu.memref_slice %arg3[%dma_start3A_237, %dma_start3A_238] : memref<1000x128xf32, #tpu.memory_space<hbm>> -> memref<256x128xf32, #tpu.memory_space<hbm>>
        tpu.enqueue_dma source(%dma_start3A_239 : memref<256x128xf32, #tpu.memory_space<hbm>>) target(%dma_start3A_236 : memref<256x128xf32, #tpu.memory_space<vmem_shared>>) target_semaphore(%run_scoped3A : memref<!tpu.dma_semaphore, #tpu.memory_space<semaphore_mem>>)
        %dma_wait3A_240 = arith.constant 512 : i32
        %dma_wait3A_241 = arith.constant 0 : i32
        %dma_wait3A_242 = tpu.memref_slice %arg11[%dma_wait3A_240, %dma_wait3A_241] : memref<1000x128xf32, #tpu.memory_space<vmem_shared>> -> memref<256x128xf32, #tpu.memory_space<vmem_shared>>
        %dma_wait3A_243 = arith.constant 512 : i32
        %dma_wait3A_244 = arith.constant 0 : i32
        %dma_wait3A_245 = tpu.memref_slice %arg3[%dma_wait3A_243, %dma_wait3A_244] : memref<1000x128xf32, #tpu.memory_space<hbm>> -> memref<256x128xf32, #tpu.memory_space<hbm>>
        tpu.wait_dma2 semaphore(%run_scoped3A : memref<!tpu.dma_semaphore, #tpu.memory_space<semaphore_mem>>) src(%dma_wait3A_245 : memref<256x128xf32, #tpu.memory_space<hbm>>) dst(%dma_wait3A_242 : memref<256x128xf32, #tpu.memory_space<vmem_shared>>)
        tpu.yield
      }) : () -> ()
    } else {
    }
    %eq3A_15 = arith.constant 12 : i32
    %eq3A_16 = arith.cmpi eq, %arg1, %eq3A_15 : i32
    %convert_element_type3A_17 = arith.extui %eq3A_16 : i1 to i32
    %cond3A_18 = arith.constant 0 : i32
    %cond3A_19 = arith.cmpi ne, %convert_element_type3A_17, %cond3A_18 : i32
    scf.if %cond3A_19 {
      "tpu.region"() ({
        %run_scoped3A = tpu.sem_alloc : memref<!tpu.dma_semaphore, #tpu.memory_space<semaphore_mem>>
        %dma_start3A_234 = arith.constant 768 : i32
        %dma_start3A_235 = arith.constant 0 : i32
        %dma_start3A_236 = tpu.memref_slice %arg11[%dma_start3A_234, %dma_start3A_235] : memref<1000x128xf32, #tpu.memory_space<vmem_shared>> -> memref<232x128xf32, #tpu.memory_space<vmem_shared>>
        %dma_start3A_237 = arith.constant 768 : i32
        %dma_start3A_238 = arith.constant 0 : i32
        %dma_start3A_239 = tpu.memref_slice %arg3[%dma_start3A_237, %dma_start3A_238] : memref<1000x128xf32, #tpu.memory_space<hbm>> -> memref<232x128xf32, #tpu.memory_space<hbm>>
        tpu.enqueue_dma source(%dma_start3A_239 : memref<232x128xf32, #tpu.memory_space<hbm>>) target(%dma_start3A_236 : memref<232x128xf32, #tpu.memory_space<vmem_shared>>) target_semaphore(%run_scoped3A : memref<!tpu.dma_semaphore, #tpu.memory_space<semaphore_mem>>)
        %dma_wait3A_240 = arith.constant 768 : i32
        %dma_wait3A_241 = arith.constant 0 : i32
        %dma_wait3A_242 = tpu.memref_slice %arg11[%dma_wait3A_240, %dma_wait3A_241] : memref<1000x128xf32, #tpu.memory_space<vmem_shared>> -> memref<232x128xf32, #tpu.memory_space<vmem_shared>>
        %dma_wait3A_243 = arith.constant 768 : i32
        %dma_wait3A_244 = arith.constant 0 : i32
        %dma_wait3A_245 = tpu.memref_slice %arg3[%dma_wait3A_243, %dma_wait3A_244] : memref<1000x128xf32, #tpu.memory_space<hbm>> -> memref<232x128xf32, #tpu.memory_space<hbm>>
        tpu.wait_dma2 semaphore(%run_scoped3A : memref<!tpu.dma_semaphore, #tpu.memory_space<semaphore_mem>>) src(%dma_wait3A_245 : memref<232x128xf32, #tpu.memory_space<hbm>>) dst(%dma_wait3A_242 : memref<232x128xf32, #tpu.memory_space<vmem_shared>>)
        tpu.yield
      }) : () -> ()
    } else {
    }
    %eq3A_20 = arith.constant 1 : i32
    %eq3A_21 = arith.cmpi eq, %arg1, %eq3A_20 : i32
    %convert_element_type3A_22 = arith.extui %eq3A_21 : i1 to i32
    %cond3A_23 = arith.constant 0 : i32
    %cond3A_24 = arith.cmpi ne, %convert_element_type3A_22, %cond3A_23 : i32
    scf.if %cond3A_24 {
      "tpu.region"() ({
        %run_scoped3A = tpu.sem_alloc : memref<!tpu.dma_semaphore, #tpu.memory_space<semaphore_mem>>
        %dma_start3A_234 = arith.constant 0 : i32
        %dma_start3A_235 = arith.constant 0 : i32
        %dma_start3A_236 = tpu.memref_slice %arg12[%dma_start3A_234, %dma_start3A_235] : memref<1000x128xf32, #tpu.memory_space<vmem_shared>> -> memref<256x128xf32, #tpu.memory_space<vmem_shared>>
        %dma_start3A_237 = arith.constant 0 : i32
        %dma_start3A_238 = arith.constant 0 : i32
        %dma_start3A_239 = tpu.memref_slice %arg4[%dma_start3A_237, %dma_start3A_238] : memref<1000x128xf32, #tpu.memory_space<hbm>> -> memref<256x128xf32, #tpu.memory_space<hbm>>
        tpu.enqueue_dma source(%dma_start3A_239 : memref<256x128xf32, #tpu.memory_space<hbm>>) target(%dma_start3A_236 : memref<256x128xf32, #tpu.memory_space<vmem_shared>>) target_semaphore(%run_scoped3A : memref<!tpu.dma_semaphore, #tpu.memory_space<semaphore_mem>>)
        %dma_wait3A_240 = arith.constant 0 : i32
        %dma_wait3A_241 = arith.constant 0 : i32
        %dma_wait3A_242 = tpu.memref_slice %arg12[%dma_wait3A_240, %dma_wait3A_241] : memref<1000x128xf32, #tpu.memory_space<vmem_shared>> -> memref<256x128xf32, #tpu.memory_space<vmem_shared>>
        %dma_wait3A_243 = arith.constant 0 : i32
        %dma_wait3A_244 = arith.constant 0 : i32
        %dma_wait3A_245 = tpu.memref_slice %arg4[%dma_wait3A_243, %dma_wait3A_244] : memref<1000x128xf32, #tpu.memory_space<hbm>> -> memref<256x128xf32, #tpu.memory_space<hbm>>
        tpu.wait_dma2 semaphore(%run_scoped3A : memref<!tpu.dma_semaphore, #tpu.memory_space<semaphore_mem>>) src(%dma_wait3A_245 : memref<256x128xf32, #tpu.memory_space<hbm>>) dst(%dma_wait3A_242 : memref<256x128xf32, #tpu.memory_space<vmem_shared>>)
        tpu.yield
      }) : () -> ()
    } else {
    }
    %eq3A_25 = arith.constant 5 : i32
    %eq3A_26 = arith.cmpi eq, %arg1, %eq3A_25 : i32
    %convert_element_type3A_27 = arith.extui %eq3A_26 : i1 to i32
    %cond3A_28 = arith.constant 0 : i32
    %cond3A_29 = arith.cmpi ne, %convert_element_type3A_27, %cond3A_28 : i32
    scf.if %cond3A_29 {
      "tpu.region"() ({
        %run_scoped3A = tpu.sem_alloc : memref<!tpu.dma_semaphore, #tpu.memory_space<semaphore_mem>>
        %dma_start3A_234 = arith.constant 256 : i32
        %dma_start3A_235 = arith.constant 0 : i32
        %dma_start3A_236 = tpu.memref_slice %arg12[%dma_start3A_234, %dma_start3A_235] : memref<1000x128xf32, #tpu.memory_space<vmem_shared>> -> memref<256x128xf32, #tpu.memory_space<vmem_shared>>
        %dma_start3A_237 = arith.constant 256 : i32
        %dma_start3A_238 = arith.constant 0 : i32
        %dma_start3A_239 = tpu.memref_slice %arg4[%dma_start3A_237, %dma_start3A_238] : memref<1000x128xf32, #tpu.memory_space<hbm>> -> memref<256x128xf32, #tpu.memory_space<hbm>>
        tpu.enqueue_dma source(%dma_start3A_239 : memref<256x128xf32, #tpu.memory_space<hbm>>) target(%dma_start3A_236 : memref<256x128xf32, #tpu.memory_space<vmem_shared>>) target_semaphore(%run_scoped3A : memref<!tpu.dma_semaphore, #tpu.memory_space<semaphore_mem>>)
        %dma_wait3A_240 = arith.constant 256 : i32
        %dma_wait3A_241 = arith.constant 0 : i32
        %dma_wait3A_242 = tpu.memref_slice %arg12[%dma_wait3A_240, %dma_wait3A_241] : memref<1000x128xf32, #tpu.memory_space<vmem_shared>> -> memref<256x128xf32, #tpu.memory_space<vmem_shared>>
        %dma_wait3A_243 = arith.constant 256 : i32
        %dma_wait3A_244 = arith.constant 0 : i32
        %dma_wait3A_245 = tpu.memref_slice %arg4[%dma_wait3A_243, %dma_wait3A_244] : memref<1000x128xf32, #tpu.memory_space<hbm>> -> memref<256x128xf32, #tpu.memory_space<hbm>>
        tpu.wait_dma2 semaphore(%run_scoped3A : memref<!tpu.dma_semaphore, #tpu.memory_space<semaphore_mem>>) src(%dma_wait3A_245 : memref<256x128xf32, #tpu.memory_space<hbm>>) dst(%dma_wait3A_242 : memref<256x128xf32, #tpu.memory_space<vmem_shared>>)
        tpu.yield
      }) : () -> ()
    } else {
    }
    %eq3A_30 = arith.constant 9 : i32
    %eq3A_31 = arith.cmpi eq, %arg1, %eq3A_30 : i32
    %convert_element_type3A_32 = arith.extui %eq3A_31 : i1 to i32
    %cond3A_33 = arith.constant 0 : i32
    %cond3A_34 = arith.cmpi ne, %convert_element_type3A_32, %cond3A_33 : i32
    scf.if %cond3A_34 {
      "tpu.region"() ({
        %run_scoped3A = tpu.sem_alloc : memref<!tpu.dma_semaphore, #tpu.memory_space<semaphore_mem>>
        %dma_start3A_234 = arith.constant 512 : i32
        %dma_start3A_235 = arith.constant 0 : i32
        %dma_start3A_236 = tpu.memref_slice %arg12[%dma_start3A_234, %dma_start3A_235] : memref<1000x128xf32, #tpu.memory_space<vmem_shared>> -> memref<256x128xf32, #tpu.memory_space<vmem_shared>>
        %dma_start3A_237 = arith.constant 512 : i32
        %dma_start3A_238 = arith.constant 0 : i32
        %dma_start3A_239 = tpu.memref_slice %arg4[%dma_start3A_237, %dma_start3A_238] : memref<1000x128xf32, #tpu.memory_space<hbm>> -> memref<256x128xf32, #tpu.memory_space<hbm>>
        tpu.enqueue_dma source(%dma_start3A_239 : memref<256x128xf32, #tpu.memory_space<hbm>>) target(%dma_start3A_236 : memref<256x128xf32, #tpu.memory_space<vmem_shared>>) target_semaphore(%run_scoped3A : memref<!tpu.dma_semaphore, #tpu.memory_space<semaphore_mem>>)
        %dma_wait3A_240 = arith.constant 512 : i32
        %dma_wait3A_241 = arith.constant 0 : i32
        %dma_wait3A_242 = tpu.memref_slice %arg12[%dma_wait3A_240, %dma_wait3A_241] : memref<1000x128xf32, #tpu.memory_space<vmem_shared>> -> memref<256x128xf32, #tpu.memory_space<vmem_shared>>
        %dma_wait3A_243 = arith.constant 512 : i32
        %dma_wait3A_244 = arith.constant 0 : i32
        %dma_wait3A_245 = tpu.memref_slice %arg4[%dma_wait3A_243, %dma_wait3A_244] : memref<1000x128xf32, #tpu.memory_space<hbm>> -> memref<256x128xf32, #tpu.memory_space<hbm>>
        tpu.wait_dma2 semaphore(%run_scoped3A : memref<!tpu.dma_semaphore, #tpu.memory_space<semaphore_mem>>) src(%dma_wait3A_245 : memref<256x128xf32, #tpu.memory_space<hbm>>) dst(%dma_wait3A_242 : memref<256x128xf32, #tpu.memory_space<vmem_shared>>)
        tpu.yield
      }) : () -> ()
    } else {
    }
    %eq3A_35 = arith.constant 13 : i32
    %eq3A_36 = arith.cmpi eq, %arg1, %eq3A_35 : i32
    %convert_element_type3A_37 = arith.extui %eq3A_36 : i1 to i32
    %cond3A_38 = arith.constant 0 : i32
    %cond3A_39 = arith.cmpi ne, %convert_element_type3A_37, %cond3A_38 : i32
    scf.if %cond3A_39 {
      "tpu.region"() ({
        %run_scoped3A = tpu.sem_alloc : memref<!tpu.dma_semaphore, #tpu.memory_space<semaphore_mem>>
        %dma_start3A_234 = arith.constant 768 : i32
        %dma_start3A_235 = arith.constant 0 : i32
        %dma_start3A_236 = tpu.memref_slice %arg12[%dma_start3A_234, %dma_start3A_235] : memref<1000x128xf32, #tpu.memory_space<vmem_shared>> -> memref<232x128xf32, #tpu.memory_space<vmem_shared>>
        %dma_start3A_237 = arith.constant 768 : i32
        %dma_start3A_238 = arith.constant 0 : i32
        %dma_start3A_239 = tpu.memref_slice %arg4[%dma_start3A_237, %dma_start3A_238] : memref<1000x128xf32, #tpu.memory_space<hbm>> -> memref<232x128xf32, #tpu.memory_space<hbm>>
        tpu.enqueue_dma source(%dma_start3A_239 : memref<232x128xf32, #tpu.memory_space<hbm>>) target(%dma_start3A_236 : memref<232x128xf32, #tpu.memory_space<vmem_shared>>) target_semaphore(%run_scoped3A : memref<!tpu.dma_semaphore, #tpu.memory_space<semaphore_mem>>)
        %dma_wait3A_240 = arith.constant 768 : i32
        %dma_wait3A_241 = arith.constant 0 : i32
        %dma_wait3A_242 = tpu.memref_slice %arg12[%dma_wait3A_240, %dma_wait3A_241] : memref<1000x128xf32, #tpu.memory_space<vmem_shared>> -> memref<232x128xf32, #tpu.memory_space<vmem_shared>>
        %dma_wait3A_243 = arith.constant 768 : i32
        %dma_wait3A_244 = arith.constant 0 : i32
        %dma_wait3A_245 = tpu.memref_slice %arg4[%dma_wait3A_243, %dma_wait3A_244] : memref<1000x128xf32, #tpu.memory_space<hbm>> -> memref<232x128xf32, #tpu.memory_space<hbm>>
        tpu.wait_dma2 semaphore(%run_scoped3A : memref<!tpu.dma_semaphore, #tpu.memory_space<semaphore_mem>>) src(%dma_wait3A_245 : memref<232x128xf32, #tpu.memory_space<hbm>>) dst(%dma_wait3A_242 : memref<232x128xf32, #tpu.memory_space<vmem_shared>>)
        tpu.yield
      }) : () -> ()
    } else {
    }
    %eq3A_40 = arith.constant 2 : i32
    %eq3A_41 = arith.cmpi eq, %arg1, %eq3A_40 : i32
    %convert_element_type3A_42 = arith.extui %eq3A_41 : i1 to i32
    %cond3A_43 = arith.constant 0 : i32
    %cond3A_44 = arith.cmpi ne, %convert_element_type3A_42, %cond3A_43 : i32
    scf.if %cond3A_44 {
      "tpu.region"() ({
        %run_scoped3A = tpu.sem_alloc : memref<!tpu.dma_semaphore, #tpu.memory_space<semaphore_mem>>
        %dma_start3A_234 = arith.constant 0 : i32
        %dma_start3A_235 = arith.constant 0 : i32
        %dma_start3A_236 = tpu.memref_slice %arg13[%dma_start3A_234, %dma_start3A_235] : memref<1000x128xf32, #tpu.memory_space<vmem_shared>> -> memref<256x128xf32, #tpu.memory_space<vmem_shared>>
        %dma_start3A_237 = arith.constant 0 : i32
        %dma_start3A_238 = arith.constant 0 : i32
        %dma_start3A_239 = tpu.memref_slice %arg5[%dma_start3A_237, %dma_start3A_238] : memref<1000x128xf32, #tpu.memory_space<hbm>> -> memref<256x128xf32, #tpu.memory_space<hbm>>
        tpu.enqueue_dma source(%dma_start3A_239 : memref<256x128xf32, #tpu.memory_space<hbm>>) target(%dma_start3A_236 : memref<256x128xf32, #tpu.memory_space<vmem_shared>>) target_semaphore(%run_scoped3A : memref<!tpu.dma_semaphore, #tpu.memory_space<semaphore_mem>>)
        %dma_wait3A_240 = arith.constant 0 : i32
        %dma_wait3A_241 = arith.constant 0 : i32
        %dma_wait3A_242 = tpu.memref_slice %arg13[%dma_wait3A_240, %dma_wait3A_241] : memref<1000x128xf32, #tpu.memory_space<vmem_shared>> -> memref<256x128xf32, #tpu.memory_space<vmem_shared>>
        %dma_wait3A_243 = arith.constant 0 : i32
        %dma_wait3A_244 = arith.constant 0 : i32
        %dma_wait3A_245 = tpu.memref_slice %arg5[%dma_wait3A_243, %dma_wait3A_244] : memref<1000x128xf32, #tpu.memory_space<hbm>> -> memref<256x128xf32, #tpu.memory_space<hbm>>
        tpu.wait_dma2 semaphore(%run_scoped3A : memref<!tpu.dma_semaphore, #tpu.memory_space<semaphore_mem>>) src(%dma_wait3A_245 : memref<256x128xf32, #tpu.memory_space<hbm>>) dst(%dma_wait3A_242 : memref<256x128xf32, #tpu.memory_space<vmem_shared>>)
        tpu.yield
      }) : () -> ()
    } else {
    }
    %eq3A_45 = arith.constant 6 : i32
    %eq3A_46 = arith.cmpi eq, %arg1, %eq3A_45 : i32
    %convert_element_type3A_47 = arith.extui %eq3A_46 : i1 to i32
    %cond3A_48 = arith.constant 0 : i32
    %cond3A_49 = arith.cmpi ne, %convert_element_type3A_47, %cond3A_48 : i32
    scf.if %cond3A_49 {
      "tpu.region"() ({
        %run_scoped3A = tpu.sem_alloc : memref<!tpu.dma_semaphore, #tpu.memory_space<semaphore_mem>>
        %dma_start3A_234 = arith.constant 256 : i32
        %dma_start3A_235 = arith.constant 0 : i32
        %dma_start3A_236 = tpu.memref_slice %arg13[%dma_start3A_234, %dma_start3A_235] : memref<1000x128xf32, #tpu.memory_space<vmem_shared>> -> memref<256x128xf32, #tpu.memory_space<vmem_shared>>
        %dma_start3A_237 = arith.constant 256 : i32
        %dma_start3A_238 = arith.constant 0 : i32
        %dma_start3A_239 = tpu.memref_slice %arg5[%dma_start3A_237, %dma_start3A_238] : memref<1000x128xf32, #tpu.memory_space<hbm>> -> memref<256x128xf32, #tpu.memory_space<hbm>>
        tpu.enqueue_dma source(%dma_start3A_239 : memref<256x128xf32, #tpu.memory_space<hbm>>) target(%dma_start3A_236 : memref<256x128xf32, #tpu.memory_space<vmem_shared>>) target_semaphore(%run_scoped3A : memref<!tpu.dma_semaphore, #tpu.memory_space<semaphore_mem>>)
        %dma_wait3A_240 = arith.constant 256 : i32
        %dma_wait3A_241 = arith.constant 0 : i32
        %dma_wait3A_242 = tpu.memref_slice %arg13[%dma_wait3A_240, %dma_wait3A_241] : memref<1000x128xf32, #tpu.memory_space<vmem_shared>> -> memref<256x128xf32, #tpu.memory_space<vmem_shared>>
        %dma_wait3A_243 = arith.constant 256 : i32
        %dma_wait3A_244 = arith.constant 0 : i32
        %dma_wait3A_245 = tpu.memref_slice %arg5[%dma_wait3A_243, %dma_wait3A_244] : memref<1000x128xf32, #tpu.memory_space<hbm>> -> memref<256x128xf32, #tpu.memory_space<hbm>>
        tpu.wait_dma2 semaphore(%run_scoped3A : memref<!tpu.dma_semaphore, #tpu.memory_space<semaphore_mem>>) src(%dma_wait3A_245 : memref<256x128xf32, #tpu.memory_space<hbm>>) dst(%dma_wait3A_242 : memref<256x128xf32, #tpu.memory_space<vmem_shared>>)
        tpu.yield
      }) : () -> ()
    } else {
    }
    %eq3A_50 = arith.constant 10 : i32
    %eq3A_51 = arith.cmpi eq, %arg1, %eq3A_50 : i32
    %convert_element_type3A_52 = arith.extui %eq3A_51 : i1 to i32
    %cond3A_53 = arith.constant 0 : i32
    %cond3A_54 = arith.cmpi ne, %convert_element_type3A_52, %cond3A_53 : i32
    scf.if %cond3A_54 {
      "tpu.region"() ({
        %run_scoped3A = tpu.sem_alloc : memref<!tpu.dma_semaphore, #tpu.memory_space<semaphore_mem>>
        %dma_start3A_234 = arith.constant 512 : i32
        %dma_start3A_235 = arith.constant 0 : i32
        %dma_start3A_236 = tpu.memref_slice %arg13[%dma_start3A_234, %dma_start3A_235] : memref<1000x128xf32, #tpu.memory_space<vmem_shared>> -> memref<256x128xf32, #tpu.memory_space<vmem_shared>>
        %dma_start3A_237 = arith.constant 512 : i32
        %dma_start3A_238 = arith.constant 0 : i32
        %dma_start3A_239 = tpu.memref_slice %arg5[%dma_start3A_237, %dma_start3A_238] : memref<1000x128xf32, #tpu.memory_space<hbm>> -> memref<256x128xf32, #tpu.memory_space<hbm>>
        tpu.enqueue_dma source(%dma_start3A_239 : memref<256x128xf32, #tpu.memory_space<hbm>>) target(%dma_start3A_236 : memref<256x128xf32, #tpu.memory_space<vmem_shared>>) target_semaphore(%run_scoped3A : memref<!tpu.dma_semaphore, #tpu.memory_space<semaphore_mem>>)
        %dma_wait3A_240 = arith.constant 512 : i32
        %dma_wait3A_241 = arith.constant 0 : i32
        %dma_wait3A_242 = tpu.memref_slice %arg13[%dma_wait3A_240, %dma_wait3A_241] : memref<1000x128xf32, #tpu.memory_space<vmem_shared>> -> memref<256x128xf32, #tpu.memory_space<vmem_shared>>
        %dma_wait3A_243 = arith.constant 512 : i32
        %dma_wait3A_244 = arith.constant 0 : i32
        %dma_wait3A_245 = tpu.memref_slice %arg5[%dma_wait3A_243, %dma_wait3A_244] : memref<1000x128xf32, #tpu.memory_space<hbm>> -> memref<256x128xf32, #tpu.memory_space<hbm>>
        tpu.wait_dma2 semaphore(%run_scoped3A : memref<!tpu.dma_semaphore, #tpu.memory_space<semaphore_mem>>) src(%dma_wait3A_245 : memref<256x128xf32, #tpu.memory_space<hbm>>) dst(%dma_wait3A_242 : memref<256x128xf32, #tpu.memory_space<vmem_shared>>)
        tpu.yield
      }) : () -> ()
    } else {
    }
    %eq3A_55 = arith.constant 14 : i32
    %eq3A_56 = arith.cmpi eq, %arg1, %eq3A_55 : i32
    %convert_element_type3A_57 = arith.extui %eq3A_56 : i1 to i32
    %cond3A_58 = arith.constant 0 : i32
    %cond3A_59 = arith.cmpi ne, %convert_element_type3A_57, %cond3A_58 : i32
    scf.if %cond3A_59 {
      "tpu.region"() ({
        %run_scoped3A = tpu.sem_alloc : memref<!tpu.dma_semaphore, #tpu.memory_space<semaphore_mem>>
        %dma_start3A_234 = arith.constant 768 : i32
        %dma_start3A_235 = arith.constant 0 : i32
        %dma_start3A_236 = tpu.memref_slice %arg13[%dma_start3A_234, %dma_start3A_235] : memref<1000x128xf32, #tpu.memory_space<vmem_shared>> -> memref<232x128xf32, #tpu.memory_space<vmem_shared>>
        %dma_start3A_237 = arith.constant 768 : i32
        %dma_start3A_238 = arith.constant 0 : i32
        %dma_start3A_239 = tpu.memref_slice %arg5[%dma_start3A_237, %dma_start3A_238] : memref<1000x128xf32, #tpu.memory_space<hbm>> -> memref<232x128xf32, #tpu.memory_space<hbm>>
        tpu.enqueue_dma source(%dma_start3A_239 : memref<232x128xf32, #tpu.memory_space<hbm>>) target(%dma_start3A_236 : memref<232x128xf32, #tpu.memory_space<vmem_shared>>) target_semaphore(%run_scoped3A : memref<!tpu.dma_semaphore, #tpu.memory_space<semaphore_mem>>)
        %dma_wait3A_240 = arith.constant 768 : i32
        %dma_wait3A_241 = arith.constant 0 : i32
        %dma_wait3A_242 = tpu.memref_slice %arg13[%dma_wait3A_240, %dma_wait3A_241] : memref<1000x128xf32, #tpu.memory_space<vmem_shared>> -> memref<232x128xf32, #tpu.memory_space<vmem_shared>>
        %dma_wait3A_243 = arith.constant 768 : i32
        %dma_wait3A_244 = arith.constant 0 : i32
        %dma_wait3A_245 = tpu.memref_slice %arg5[%dma_wait3A_243, %dma_wait3A_244] : memref<1000x128xf32, #tpu.memory_space<hbm>> -> memref<232x128xf32, #tpu.memory_space<hbm>>
        tpu.wait_dma2 semaphore(%run_scoped3A : memref<!tpu.dma_semaphore, #tpu.memory_space<semaphore_mem>>) src(%dma_wait3A_245 : memref<232x128xf32, #tpu.memory_space<hbm>>) dst(%dma_wait3A_242 : memref<232x128xf32, #tpu.memory_space<vmem_shared>>)
        tpu.yield
      }) : () -> ()
    } else {
    }
    %eq3A_60 = arith.constant 3 : i32
    %eq3A_61 = arith.cmpi eq, %arg1, %eq3A_60 : i32
    %convert_element_type3A_62 = arith.extui %eq3A_61 : i1 to i32
    %cond3A_63 = arith.constant 0 : i32
    %cond3A_64 = arith.cmpi ne, %convert_element_type3A_62, %cond3A_63 : i32
    scf.if %cond3A_64 {
      "tpu.region"() ({
        %run_scoped3A = tpu.sem_alloc : memref<!tpu.dma_semaphore, #tpu.memory_space<semaphore_mem>>
        %dma_start3A_234 = arith.constant 0 : i32
        %dma_start3A_235 = arith.constant 0 : i32
        %dma_start3A_236 = tpu.memref_slice %arg14[%dma_start3A_234, %dma_start3A_235] : memref<1000x128xf32, #tpu.memory_space<vmem_shared>> -> memref<256x128xf32, #tpu.memory_space<vmem_shared>>
        %dma_start3A_237 = arith.constant 0 : i32
        %dma_start3A_238 = arith.constant 0 : i32
        %dma_start3A_239 = tpu.memref_slice %arg6[%dma_start3A_237, %dma_start3A_238] : memref<1000x128xf32, #tpu.memory_space<hbm>> -> memref<256x128xf32, #tpu.memory_space<hbm>>
        tpu.enqueue_dma source(%dma_start3A_239 : memref<256x128xf32, #tpu.memory_space<hbm>>) target(%dma_start3A_236 : memref<256x128xf32, #tpu.memory_space<vmem_shared>>) target_semaphore(%run_scoped3A : memref<!tpu.dma_semaphore, #tpu.memory_space<semaphore_mem>>)
        %dma_wait3A_240 = arith.constant 0 : i32
        %dma_wait3A_241 = arith.constant 0 : i32
        %dma_wait3A_242 = tpu.memref_slice %arg14[%dma_wait3A_240, %dma_wait3A_241] : memref<1000x128xf32, #tpu.memory_space<vmem_shared>> -> memref<256x128xf32, #tpu.memory_space<vmem_shared>>
        %dma_wait3A_243 = arith.constant 0 : i32
        %dma_wait3A_244 = arith.constant 0 : i32
        %dma_wait3A_245 = tpu.memref_slice %arg6[%dma_wait3A_243, %dma_wait3A_244] : memref<1000x128xf32, #tpu.memory_space<hbm>> -> memref<256x128xf32, #tpu.memory_space<hbm>>
        tpu.wait_dma2 semaphore(%run_scoped3A : memref<!tpu.dma_semaphore, #tpu.memory_space<semaphore_mem>>) src(%dma_wait3A_245 : memref<256x128xf32, #tpu.memory_space<hbm>>) dst(%dma_wait3A_242 : memref<256x128xf32, #tpu.memory_space<vmem_shared>>)
        tpu.yield
      }) : () -> ()
    } else {
    }
    %eq3A_65 = arith.constant 7 : i32
    %eq3A_66 = arith.cmpi eq, %arg1, %eq3A_65 : i32
    %convert_element_type3A_67 = arith.extui %eq3A_66 : i1 to i32
    %cond3A_68 = arith.constant 0 : i32
    %cond3A_69 = arith.cmpi ne, %convert_element_type3A_67, %cond3A_68 : i32
    scf.if %cond3A_69 {
      "tpu.region"() ({
        %run_scoped3A = tpu.sem_alloc : memref<!tpu.dma_semaphore, #tpu.memory_space<semaphore_mem>>
        %dma_start3A_234 = arith.constant 256 : i32
        %dma_start3A_235 = arith.constant 0 : i32
        %dma_start3A_236 = tpu.memref_slice %arg14[%dma_start3A_234, %dma_start3A_235] : memref<1000x128xf32, #tpu.memory_space<vmem_shared>> -> memref<256x128xf32, #tpu.memory_space<vmem_shared>>
        %dma_start3A_237 = arith.constant 256 : i32
        %dma_start3A_238 = arith.constant 0 : i32
        %dma_start3A_239 = tpu.memref_slice %arg6[%dma_start3A_237, %dma_start3A_238] : memref<1000x128xf32, #tpu.memory_space<hbm>> -> memref<256x128xf32, #tpu.memory_space<hbm>>
        tpu.enqueue_dma source(%dma_start3A_239 : memref<256x128xf32, #tpu.memory_space<hbm>>) target(%dma_start3A_236 : memref<256x128xf32, #tpu.memory_space<vmem_shared>>) target_semaphore(%run_scoped3A : memref<!tpu.dma_semaphore, #tpu.memory_space<semaphore_mem>>)
        %dma_wait3A_240 = arith.constant 256 : i32
        %dma_wait3A_241 = arith.constant 0 : i32
        %dma_wait3A_242 = tpu.memref_slice %arg14[%dma_wait3A_240, %dma_wait3A_241] : memref<1000x128xf32, #tpu.memory_space<vmem_shared>> -> memref<256x128xf32, #tpu.memory_space<vmem_shared>>
        %dma_wait3A_243 = arith.constant 256 : i32
        %dma_wait3A_244 = arith.constant 0 : i32
        %dma_wait3A_245 = tpu.memref_slice %arg6[%dma_wait3A_243, %dma_wait3A_244] : memref<1000x128xf32, #tpu.memory_space<hbm>> -> memref<256x128xf32, #tpu.memory_space<hbm>>
        tpu.wait_dma2 semaphore(%run_scoped3A : memref<!tpu.dma_semaphore, #tpu.memory_space<semaphore_mem>>) src(%dma_wait3A_245 : memref<256x128xf32, #tpu.memory_space<hbm>>) dst(%dma_wait3A_242 : memref<256x128xf32, #tpu.memory_space<vmem_shared>>)
        tpu.yield
      }) : () -> ()
    } else {
    }
    %eq3A_70 = arith.constant 11 : i32
    %eq3A_71 = arith.cmpi eq, %arg1, %eq3A_70 : i32
    %convert_element_type3A_72 = arith.extui %eq3A_71 : i1 to i32
    %cond3A_73 = arith.constant 0 : i32
    %cond3A_74 = arith.cmpi ne, %convert_element_type3A_72, %cond3A_73 : i32
    scf.if %cond3A_74 {
      "tpu.region"() ({
        %run_scoped3A = tpu.sem_alloc : memref<!tpu.dma_semaphore, #tpu.memory_space<semaphore_mem>>
        %dma_start3A_234 = arith.constant 512 : i32
        %dma_start3A_235 = arith.constant 0 : i32
        %dma_start3A_236 = tpu.memref_slice %arg14[%dma_start3A_234, %dma_start3A_235] : memref<1000x128xf32, #tpu.memory_space<vmem_shared>> -> memref<256x128xf32, #tpu.memory_space<vmem_shared>>
        %dma_start3A_237 = arith.constant 512 : i32
        %dma_start3A_238 = arith.constant 0 : i32
        %dma_start3A_239 = tpu.memref_slice %arg6[%dma_start3A_237, %dma_start3A_238] : memref<1000x128xf32, #tpu.memory_space<hbm>> -> memref<256x128xf32, #tpu.memory_space<hbm>>
        tpu.enqueue_dma source(%dma_start3A_239 : memref<256x128xf32, #tpu.memory_space<hbm>>) target(%dma_start3A_236 : memref<256x128xf32, #tpu.memory_space<vmem_shared>>) target_semaphore(%run_scoped3A : memref<!tpu.dma_semaphore, #tpu.memory_space<semaphore_mem>>)
        %dma_wait3A_240 = arith.constant 512 : i32
        %dma_wait3A_241 = arith.constant 0 : i32
        %dma_wait3A_242 = tpu.memref_slice %arg14[%dma_wait3A_240, %dma_wait3A_241] : memref<1000x128xf32, #tpu.memory_space<vmem_shared>> -> memref<256x128xf32, #tpu.memory_space<vmem_shared>>
        %dma_wait3A_243 = arith.constant 512 : i32
        %dma_wait3A_244 = arith.constant 0 : i32
        %dma_wait3A_245 = tpu.memref_slice %arg6[%dma_wait3A_243, %dma_wait3A_244] : memref<1000x128xf32, #tpu.memory_space<hbm>> -> memref<256x128xf32, #tpu.memory_space<hbm>>
        tpu.wait_dma2 semaphore(%run_scoped3A : memref<!tpu.dma_semaphore, #tpu.memory_space<semaphore_mem>>) src(%dma_wait3A_245 : memref<256x128xf32, #tpu.memory_space<hbm>>) dst(%dma_wait3A_242 : memref<256x128xf32, #tpu.memory_space<vmem_shared>>)
        tpu.yield
      }) : () -> ()
    } else {
    }
    %eq3A_75 = arith.constant 15 : i32
    %eq3A_76 = arith.cmpi eq, %arg1, %eq3A_75 : i32
    %convert_element_type3A_77 = arith.extui %eq3A_76 : i1 to i32
    %cond3A_78 = arith.constant 0 : i32
    %cond3A_79 = arith.cmpi ne, %convert_element_type3A_77, %cond3A_78 : i32
    scf.if %cond3A_79 {
      "tpu.region"() ({
        %run_scoped3A = tpu.sem_alloc : memref<!tpu.dma_semaphore, #tpu.memory_space<semaphore_mem>>
        %dma_start3A_234 = arith.constant 768 : i32
        %dma_start3A_235 = arith.constant 0 : i32
        %dma_start3A_236 = tpu.memref_slice %arg14[%dma_start3A_234, %dma_start3A_235] : memref<1000x128xf32, #tpu.memory_space<vmem_shared>> -> memref<232x128xf32, #tpu.memory_space<vmem_shared>>
        %dma_start3A_237 = arith.constant 768 : i32
        %dma_start3A_238 = arith.constant 0 : i32
        %dma_start3A_239 = tpu.memref_slice %arg6[%dma_start3A_237, %dma_start3A_238] : memref<1000x128xf32, #tpu.memory_space<hbm>> -> memref<232x128xf32, #tpu.memory_space<hbm>>
        tpu.enqueue_dma source(%dma_start3A_239 : memref<232x128xf32, #tpu.memory_space<hbm>>) target(%dma_start3A_236 : memref<232x128xf32, #tpu.memory_space<vmem_shared>>) target_semaphore(%run_scoped3A : memref<!tpu.dma_semaphore, #tpu.memory_space<semaphore_mem>>)
        %dma_wait3A_240 = arith.constant 768 : i32
        %dma_wait3A_241 = arith.constant 0 : i32
        %dma_wait3A_242 = tpu.memref_slice %arg14[%dma_wait3A_240, %dma_wait3A_241] : memref<1000x128xf32, #tpu.memory_space<vmem_shared>> -> memref<232x128xf32, #tpu.memory_space<vmem_shared>>
        %dma_wait3A_243 = arith.constant 768 : i32
        %dma_wait3A_244 = arith.constant 0 : i32
        %dma_wait3A_245 = tpu.memref_slice %arg6[%dma_wait3A_243, %dma_wait3A_244] : memref<1000x128xf32, #tpu.memory_space<hbm>> -> memref<232x128xf32, #tpu.memory_space<hbm>>
        tpu.wait_dma2 semaphore(%run_scoped3A : memref<!tpu.dma_semaphore, #tpu.memory_space<semaphore_mem>>) src(%dma_wait3A_245 : memref<232x128xf32, #tpu.memory_space<hbm>>) dst(%dma_wait3A_242 : memref<232x128xf32, #tpu.memory_space<vmem_shared>>)
        tpu.yield
      }) : () -> ()
    } else {
    }
    %barrier3A = arith.constant 0 : index
    tpu.barrier barrier_id(%barrier3A)
    %add3A_80 = arith.constant 0 : i32
    %add3A_81 = arith.addi %mul3A_2, %add3A_80 : i32
    %mul3A_82 = arith.constant 4 : i32
    %mul3A_83 = arith.muli %add3A_81, %mul3A_82 : i32
    %dma_start3A = arith.constant 0 : i32
    %dma_start3A_84 = arith.constant 0 : i32
    %dma_start3A_85 = arith.constant 0 : i32
    %dma_start3A_86 = tpu.memref_slice %arg8[%dma_start3A, %dma_start3A_85] : memref<2x256xi32, #tpu.memory_space<vmem>> -> memref<1x256xi32, #tpu.memory_space<vmem>>
    %dma_start3A_87 = tpu.memref_squeeze %dma_start3A_86 : memref<1x256xi32, #tpu.memory_space<vmem>> -> memref<256xi32, #tpu.memory_space<vmem>>
    %dma_start3A_88 = tpu.memref_slice %arg2[%mul3A_83] : memref<3276800xi32, #tpu.memory_space<hbm>> -> memref<256xi32, #tpu.memory_space<hbm>>
    %dma_start3A_89 = tpu.memref_slice %arg15[%dma_start3A_84] : memref<2x!tpu.dma_semaphore, #tpu.memory_space<semaphore_mem>> -> memref<1x!tpu.dma_semaphore, #tpu.memory_space<semaphore_mem>>
    %dma_start3A_90 = tpu.memref_squeeze %dma_start3A_89 : memref<1x!tpu.dma_semaphore, #tpu.memory_space<semaphore_mem>> -> memref<!tpu.dma_semaphore, #tpu.memory_space<semaphore_mem>>
    %dma_start3A_91 = arith.constant 0 : i32
    %dma_start3A_92 = tpu.memref_slice %arg8[%dma_start3A, %dma_start3A_91] : memref<2x256xi32, #tpu.memory_space<vmem>> -> memref<1x256xi32, #tpu.memory_space<vmem>>
    %dma_start3A_93 = tpu.memref_squeeze %dma_start3A_92 : memref<1x256xi32, #tpu.memory_space<vmem>> -> memref<256xi32, #tpu.memory_space<vmem>>
    %dma_start3A_94 = tpu.memref_slice %arg2[%mul3A_83] : memref<3276800xi32, #tpu.memory_space<hbm>> -> memref<256xi32, #tpu.memory_space<hbm>>
    tpu.enqueue_dma source(%dma_start3A_94 : memref<256xi32, #tpu.memory_space<hbm>>) target(%dma_start3A_93 : memref<256xi32, #tpu.memory_space<vmem>>) target_semaphore(%dma_start3A_90 : memref<!tpu.dma_semaphore, #tpu.memory_space<semaphore_mem>>)
    %add3A_95 = arith.constant 64 : i32
    %add3A_96 = arith.addi %mul3A_2, %add3A_95 : i32
    %mul3A_97 = arith.constant 4 : i32
    %mul3A_98 = arith.muli %add3A_96, %mul3A_97 : i32
    %dma_start3A_99 = arith.constant 1 : i32
    %dma_start3A_100 = arith.constant 1 : i32
    %dma_start3A_101 = arith.constant 0 : i32
    %dma_start3A_102 = tpu.memref_slice %arg8[%dma_start3A_99, %dma_start3A_101] : memref<2x256xi32, #tpu.memory_space<vmem>> -> memref<1x256xi32, #tpu.memory_space<vmem>>
    %dma_start3A_103 = tpu.memref_squeeze %dma_start3A_102 : memref<1x256xi32, #tpu.memory_space<vmem>> -> memref<256xi32, #tpu.memory_space<vmem>>
    %dma_start3A_104 = tpu.memref_slice %arg2[%mul3A_98] : memref<3276800xi32, #tpu.memory_space<hbm>> -> memref<256xi32, #tpu.memory_space<hbm>>
    %dma_start3A_105 = tpu.memref_slice %arg15[%dma_start3A_100] : memref<2x!tpu.dma_semaphore, #tpu.memory_space<semaphore_mem>> -> memref<1x!tpu.dma_semaphore, #tpu.memory_space<semaphore_mem>>
    %dma_start3A_106 = tpu.memref_squeeze %dma_start3A_105 : memref<1x!tpu.dma_semaphore, #tpu.memory_space<semaphore_mem>> -> memref<!tpu.dma_semaphore, #tpu.memory_space<semaphore_mem>>
    %dma_start3A_107 = arith.constant 0 : i32
    %dma_start3A_108 = tpu.memref_slice %arg8[%dma_start3A_99, %dma_start3A_107] : memref<2x256xi32, #tpu.memory_space<vmem>> -> memref<1x256xi32, #tpu.memory_space<vmem>>
    %dma_start3A_109 = tpu.memref_squeeze %dma_start3A_108 : memref<1x256xi32, #tpu.memory_space<vmem>> -> memref<256xi32, #tpu.memory_space<vmem>>
    %dma_start3A_110 = tpu.memref_slice %arg2[%mul3A_98] : memref<3276800xi32, #tpu.memory_space<hbm>> -> memref<256xi32, #tpu.memory_space<hbm>>
    tpu.enqueue_dma source(%dma_start3A_110 : memref<256xi32, #tpu.memory_space<hbm>>) target(%dma_start3A_109 : memref<256xi32, #tpu.memory_space<vmem>>) target_semaphore(%dma_start3A_106 : memref<!tpu.dma_semaphore, #tpu.memory_space<semaphore_mem>>)
    %mul3A_111 = arith.constant 4 : i32
    %mul3A_112 = arith.muli %mul3A_2, %mul3A_111 : i32
    %dma_wait3A = arith.constant 0 : i32
    %dma_wait3A_113 = arith.constant 0 : i32
    %dma_wait3A_114 = arith.constant 0 : i32
    %dma_wait3A_115 = tpu.memref_slice %arg8[%dma_wait3A, %dma_wait3A_114] : memref<2x256xi32, #tpu.memory_space<vmem>> -> memref<1x256xi32, #tpu.memory_space<vmem>>
    %dma_wait3A_116 = tpu.memref_squeeze %dma_wait3A_115 : memref<1x256xi32, #tpu.memory_space<vmem>> -> memref<256xi32, #tpu.memory_space<vmem>>
    %dma_wait3A_117 = tpu.memref_slice %arg2[%mul3A_112] : memref<3276800xi32, #tpu.memory_space<hbm>> -> memref<256xi32, #tpu.memory_space<hbm>>
    %dma_wait3A_118 = tpu.memref_slice %arg15[%dma_wait3A_113] : memref<2x!tpu.dma_semaphore, #tpu.memory_space<semaphore_mem>> -> memref<1x!tpu.dma_semaphore, #tpu.memory_space<semaphore_mem>>
    %dma_wait3A_119 = tpu.memref_squeeze %dma_wait3A_118 : memref<1x!tpu.dma_semaphore, #tpu.memory_space<semaphore_mem>> -> memref<!tpu.dma_semaphore, #tpu.memory_space<semaphore_mem>>
    %dma_wait3A_120 = arith.constant 0 : i32
    %dma_wait3A_121 = tpu.memref_slice %arg8[%dma_wait3A, %dma_wait3A_120] : memref<2x256xi32, #tpu.memory_space<vmem>> -> memref<1x256xi32, #tpu.memory_space<vmem>>
    %dma_wait3A_122 = tpu.memref_squeeze %dma_wait3A_121 : memref<1x256xi32, #tpu.memory_space<vmem>> -> memref<256xi32, #tpu.memory_space<vmem>>
    %dma_wait3A_123 = tpu.memref_slice %arg2[%mul3A_112] : memref<3276800xi32, #tpu.memory_space<hbm>> -> memref<256xi32, #tpu.memory_space<hbm>>
    tpu.wait_dma2 semaphore(%dma_wait3A_119 : memref<!tpu.dma_semaphore, #tpu.memory_space<semaphore_mem>>) src(%dma_wait3A_123 : memref<256xi32, #tpu.memory_space<hbm>>) dst(%dma_wait3A_122 : memref<256xi32, #tpu.memory_space<vmem>>)
    %parallel_loop3A = arith.constant 0 : i32
    %parallel_loop3A_124 = arith.constant 4 : i32
    %parallel_loop3A_125 = arith.constant 1 : i32
    scf.for %parallel_loop3A_234 = %parallel_loop3A to %parallel_loop3A_124 step %parallel_loop3A_125  : i32 {
      %parallel_loop3A_235 = tpu.iota {dimensions = array<i32: 0>} : vector<16xi32>
      %parallel_loop3A_236 = arith.constant 4 : i32
      %parallel_loop3A_237 = vector.broadcast %parallel_loop3A_236 : i32 to vector<16xi32>
      %parallel_loop3A_238 = arith.muli %parallel_loop3A_235, %parallel_loop3A_237 : vector<16xi32>
      %parallel_loop3A_239 = arith.constant 64 : i32
      %parallel_loop3A_240 = arith.muli %parallel_loop3A_234, %parallel_loop3A_239 : i32
      %parallel_loop3A_241 = vector.broadcast %parallel_loop3A_240 : i32 to vector<16xi32>
      %parallel_loop3A_242 = arith.addi %parallel_loop3A_238, %parallel_loop3A_241 : vector<16xi32>
      %parallel_loop3A_243 = arith.constant 0 : i32
      %parallel_loop3A_244 = vector.broadcast %parallel_loop3A_243 : i32 to vector<16xi32>
      %parallel_loop3A_245 = arith.constant 0 : i32
      %parallel_loop3A_246 = vector.broadcast %parallel_loop3A_245 : i32 to vector<16xi32>
      %parallel_loop3A_247 = arith.addi %parallel_loop3A_242, %parallel_loop3A_246 : vector<16xi32>
      %parallel_loop3A_248 = tpu.vector_load_idx %arg8[%parallel_loop3A_244, %parallel_loop3A_247] : memref<2x256xi32, #tpu.memory_space<vmem>>[vector<16xi32>, vector<16xi32>], vector<16xi32>,
      %parallel_loop3A_249 = arith.constant 16 : i32
      %parallel_loop3A_250 = arith.muli %parallel_loop3A_234, %parallel_loop3A_249 : i32
      %parallel_loop3A_251 = arith.constant 0 : i32
      %parallel_loop3A_252 = arith.constant 0 : i32
      %parallel_loop3A_253 = arith.index_cast %parallel_loop3A_251 : i32 to index
      %parallel_loop3A_254 = arith.index_cast %parallel_loop3A_252 : i32 to index
      %parallel_loop3A_255 = arith.index_cast %parallel_loop3A_250 : i32 to index
      %parallel_loop3A_256 = tpu.vector_load %arg9[%parallel_loop3A_253, %parallel_loop3A_254, %parallel_loop3A_255] {strides = array<i32>} : memref<2x4x64xi32, #tpu.memory_space<vmem>>, vector<16xi32>,
      tpu.vector_store %arg9[%parallel_loop3A_253, %parallel_loop3A_254, %parallel_loop3A_255], %parallel_loop3A_248 {strides = array<i32>} : memref<2x4x64xi32, #tpu.memory_space<vmem>>, vector<16xi32>,
      %parallel_loop3A_257 = arith.constant 1 : i32
      %parallel_loop3A_258 = vector.broadcast %parallel_loop3A_257 : i32 to vector<16xi32>
      %parallel_loop3A_259 = arith.addi %parallel_loop3A_242, %parallel_loop3A_258 : vector<16xi32>
      %parallel_loop3A_260 = tpu.vector_load_idx %arg8[%parallel_loop3A_244, %parallel_loop3A_259] : memref<2x256xi32, #tpu.memory_space<vmem>>[vector<16xi32>, vector<16xi32>], vector<16xi32>,
      %parallel_loop3A_261 = arith.constant 16 : i32
      %parallel_loop3A_262 = arith.muli %parallel_loop3A_234, %parallel_loop3A_261 : i32
      %parallel_loop3A_263 = arith.constant 0 : i32
      %parallel_loop3A_264 = arith.constant 1 : i32
      %parallel_loop3A_265 = arith.index_cast %parallel_loop3A_263 : i32 to index
      %parallel_loop3A_266 = arith.index_cast %parallel_loop3A_264 : i32 to index
      %parallel_loop3A_267 = arith.index_cast %parallel_loop3A_262 : i32 to index
      %parallel_loop3A_268 = tpu.vector_load %arg9[%parallel_loop3A_265, %parallel_loop3A_266, %parallel_loop3A_267] {strides = array<i32>} : memref<2x4x64xi32, #tpu.memory_space<vmem>>, vector<16xi32>,
      tpu.vector_store %arg9[%parallel_loop3A_265, %parallel_loop3A_266, %parallel_loop3A_267], %parallel_loop3A_260 {strides = array<i32>} : memref<2x4x64xi32, #tpu.memory_space<vmem>>, vector<16xi32>,
      %parallel_loop3A_269 = arith.constant 2 : i32
      %parallel_loop3A_270 = vector.broadcast %parallel_loop3A_269 : i32 to vector<16xi32>
      %parallel_loop3A_271 = arith.addi %parallel_loop3A_242, %parallel_loop3A_270 : vector<16xi32>
      %parallel_loop3A_272 = tpu.vector_load_idx %arg8[%parallel_loop3A_244, %parallel_loop3A_271] : memref<2x256xi32, #tpu.memory_space<vmem>>[vector<16xi32>, vector<16xi32>], vector<16xi32>,
      %parallel_loop3A_273 = arith.constant 16 : i32
      %parallel_loop3A_274 = arith.muli %parallel_loop3A_234, %parallel_loop3A_273 : i32
      %parallel_loop3A_275 = arith.constant 0 : i32
      %parallel_loop3A_276 = arith.constant 2 : i32
      %parallel_loop3A_277 = arith.index_cast %parallel_loop3A_275 : i32 to index
      %parallel_loop3A_278 = arith.index_cast %parallel_loop3A_276 : i32 to index
      %parallel_loop3A_279 = arith.index_cast %parallel_loop3A_274 : i32 to index
      %parallel_loop3A_280 = tpu.vector_load %arg9[%parallel_loop3A_277, %parallel_loop3A_278, %parallel_loop3A_279] {strides = array<i32>} : memref<2x4x64xi32, #tpu.memory_space<vmem>>, vector<16xi32>,
      tpu.vector_store %arg9[%parallel_loop3A_277, %parallel_loop3A_278, %parallel_loop3A_279], %parallel_loop3A_272 {strides = array<i32>} : memref<2x4x64xi32, #tpu.memory_space<vmem>>, vector<16xi32>,
      %parallel_loop3A_281 = arith.constant 3 : i32
      %parallel_loop3A_282 = vector.broadcast %parallel_loop3A_281 : i32 to vector<16xi32>
      %parallel_loop3A_283 = arith.addi %parallel_loop3A_242, %parallel_loop3A_282 : vector<16xi32>
      %parallel_loop3A_284 = tpu.vector_load_idx %arg8[%parallel_loop3A_244, %parallel_loop3A_283] : memref<2x256xi32, #tpu.memory_space<vmem>>[vector<16xi32>, vector<16xi32>], vector<16xi32>,
      %parallel_loop3A_285 = arith.constant 16 : i32
      %parallel_loop3A_286 = arith.muli %parallel_loop3A_234, %parallel_loop3A_285 : i32
      %parallel_loop3A_287 = arith.constant 0 : i32
      %parallel_loop3A_288 = arith.constant 3 : i32
      %parallel_loop3A_289 = arith.index_cast %parallel_loop3A_287 : i32 to index
      %parallel_loop3A_290 = arith.index_cast %parallel_loop3A_288 : i32 to index
      %parallel_loop3A_291 = arith.index_cast %parallel_loop3A_286 : i32 to index
      %parallel_loop3A_292 = tpu.vector_load %arg9[%parallel_loop3A_289, %parallel_loop3A_290, %parallel_loop3A_291] {strides = array<i32>} : memref<2x4x64xi32, #tpu.memory_space<vmem>>, vector<16xi32>,
      tpu.vector_store %arg9[%parallel_loop3A_289, %parallel_loop3A_290, %parallel_loop3A_291], %parallel_loop3A_284 {strides = array<i32>} : memref<2x4x64xi32, #tpu.memory_space<vmem>>, vector<16xi32>,
    } {sc.loop_unroll_factor = 2 : i64, sc.parallel_access}
    %dma_start3A_126 = arith.constant 0 : i32
    %dma_start3A_127 = arith.constant 0 : i32
    %dma_start3A_128 = arith.constant 0 : i32
    %dma_start3A_129 = arith.constant 0 : i32
    %dma_start3A_130 = arith.constant 0 : i32
    %dma_start3A_131 = arith.constant 0 : i32
    %dma_start3A_132 = arith.constant 0 : i32
    %dma_start3A_133 = tpu.memref_slice %arg10[%dma_start3A_128, %dma_start3A_129, %dma_start3A_131, %dma_start3A_132] : memref<2x4x64x128xf32, #tpu.memory_space<vmem>> -> memref<1x1x64x128xf32, #tpu.memory_space<vmem>>
    %dma_start3A_134 = tpu.memref_squeeze %dma_start3A_133 : memref<1x1x64x128xf32, #tpu.memory_space<vmem>> -> memref<64x128xf32, #tpu.memory_space<vmem>>
    %dma_start3A_135 = arith.constant 0 : i32
    %dma_start3A_136 = tpu.memref_slice %arg9[%dma_start3A_126, %dma_start3A_127, %dma_start3A_135] : memref<2x4x64xi32, #tpu.memory_space<vmem>> -> memref<1x1x64xi32, #tpu.memory_space<vmem>>
    %dma_start3A_137 = tpu.memref_squeeze %dma_start3A_136 : memref<1x1x64xi32, #tpu.memory_space<vmem>> -> memref<64xi32, #tpu.memory_space<vmem>>
    %dma_start3A_138 = arith.constant 0 : i32
    %dma_start3A_139 = arith.constant 0 : i32
    %dma_start3A_140 = tpu.memref_slice %arg11[%dma_start3A_138, %dma_start3A_139] : memref<1000x128xf32, #tpu.memory_space<vmem_shared>> -> memref<1000x128xf32, #tpu.memory_space<vmem_shared>>
    %dma_start3A_141 = tpu.memref_slice %arg16[%dma_start3A_130] : memref<2x!tpu.dma_semaphore, #tpu.memory_space<semaphore_mem>> -> memref<1x!tpu.dma_semaphore, #tpu.memory_space<semaphore_mem>>
    %dma_start3A_142 = tpu.memref_squeeze %dma_start3A_141 : memref<1x!tpu.dma_semaphore, #tpu.memory_space<semaphore_mem>> -> memref<!tpu.dma_semaphore, #tpu.memory_space<semaphore_mem>>
    tpu.enqueue_indirect_dma source(%dma_start3A_140 : memref<1000x128xf32, #tpu.memory_space<vmem_shared>>) target(%dma_start3A_134 : memref<64x128xf32, #tpu.memory_space<vmem>>) offsets(%dma_start3A_137 : memref<64xi32, #tpu.memory_space<vmem>>) semaphore(%dma_start3A_142 : memref<!tpu.dma_semaphore, #tpu.memory_space<semaphore_mem>>)
    %dma_start3A_143 = arith.constant 0 : i32
    %dma_start3A_144 = arith.constant 1 : i32
    %dma_start3A_145 = arith.constant 0 : i32
    %dma_start3A_146 = arith.constant 1 : i32
    %dma_start3A_147 = arith.constant 0 : i32
    %dma_start3A_148 = arith.constant 0 : i32
    %dma_start3A_149 = arith.constant 0 : i32
    %dma_start3A_150 = tpu.memref_slice %arg10[%dma_start3A_145, %dma_start3A_146, %dma_start3A_148, %dma_start3A_149] : memref<2x4x64x128xf32, #tpu.memory_space<vmem>> -> memref<1x1x64x128xf32, #tpu.memory_space<vmem>>
    %dma_start3A_151 = tpu.memref_squeeze %dma_start3A_150 : memref<1x1x64x128xf32, #tpu.memory_space<vmem>> -> memref<64x128xf32, #tpu.memory_space<vmem>>
    %dma_start3A_152 = arith.constant 0 : i32
    %dma_start3A_153 = tpu.memref_slice %arg9[%dma_start3A_143, %dma_start3A_144, %dma_start3A_152] : memref<2x4x64xi32, #tpu.memory_space<vmem>> -> memref<1x1x64xi32, #tpu.memory_space<vmem>>
    %dma_start3A_154 = tpu.memref_squeeze %dma_start3A_153 : memref<1x1x64xi32, #tpu.memory_space<vmem>> -> memref<64xi32, #tpu.memory_space<vmem>>
    %dma_start3A_155 = arith.constant 0 : i32
    %dma_start3A_156 = arith.constant 0 : i32
    %dma_start3A_157 = tpu.memref_slice %arg12[%dma_start3A_155, %dma_start3A_156] : memref<1000x128xf32, #tpu.memory_space<vmem_shared>> -> memref<1000x128xf32, #tpu.memory_space<vmem_shared>>
    %dma_start3A_158 = tpu.memref_slice %arg16[%dma_start3A_147] : memref<2x!tpu.dma_semaphore, #tpu.memory_space<semaphore_mem>> -> memref<1x!tpu.dma_semaphore, #tpu.memory_space<semaphore_mem>>
    %dma_start3A_159 = tpu.memref_squeeze %dma_start3A_158 : memref<1x!tpu.dma_semaphore, #tpu.memory_space<semaphore_mem>> -> memref<!tpu.dma_semaphore, #tpu.memory_space<semaphore_mem>>
    tpu.enqueue_indirect_dma source(%dma_start3A_157 : memref<1000x128xf32, #tpu.memory_space<vmem_shared>>) target(%dma_start3A_151 : memref<64x128xf32, #tpu.memory_space<vmem>>) offsets(%dma_start3A_154 : memref<64xi32, #tpu.memory_space<vmem>>) semaphore(%dma_start3A_159 : memref<!tpu.dma_semaphore, #tpu.memory_space<semaphore_mem>>)
    %dma_start3A_160 = arith.constant 0 : i32
    %dma_start3A_161 = arith.constant 2 : i32
    %dma_start3A_162 = arith.constant 0 : i32
    %dma_start3A_163 = arith.constant 2 : i32
    %dma_start3A_164 = arith.constant 0 : i32
    %dma_start3A_165 = arith.constant 0 : i32
    %dma_start3A_166 = arith.constant 0 : i32
    %dma_start3A_167 = tpu.memref_slice %arg10[%dma_start3A_162, %dma_start3A_163, %dma_start3A_165, %dma_start3A_166] : memref<2x4x64x128xf32, #tpu.memory_space<vmem>> -> memref<1x1x64x128xf32, #tpu.memory_space<vmem>>
    %dma_start3A_168 = tpu.memref_squeeze %dma_start3A_167 : memref<1x1x64x128xf32, #tpu.memory_space<vmem>> -> memref<64x128xf32, #tpu.memory_space<vmem>>
    %dma_start3A_169 = arith.constant 0 : i32
    %dma_start3A_170 = tpu.memref_slice %arg9[%dma_start3A_160, %dma_start3A_161, %dma_start3A_169] : memref<2x4x64xi32, #tpu.memory_space<vmem>> -> memref<1x1x64xi32, #tpu.memory_space<vmem>>
    %dma_start3A_171 = tpu.memref_squeeze %dma_start3A_170 : memref<1x1x64xi32, #tpu.memory_space<vmem>> -> memref<64xi32, #tpu.memory_space<vmem>>
    %dma_start3A_172 = arith.constant 0 : i32
    %dma_start3A_173 = arith.constant 0 : i32
    %dma_start3A_174 = tpu.memref_slice %arg13[%dma_start3A_172, %dma_start3A_173] : memref<1000x128xf32, #tpu.memory_space<vmem_shared>> -> memref<1000x128xf32, #tpu.memory_space<vmem_shared>>
    %dma_start3A_175 = tpu.memref_slice %arg16[%dma_start3A_164] : memref<2x!tpu.dma_semaphore, #tpu.memory_space<semaphore_mem>> -> memref<1x!tpu.dma_semaphore, #tpu.memory_space<semaphore_mem>>
    %dma_start3A_176 = tpu.memref_squeeze %dma_start3A_175 : memref<1x!tpu.dma_semaphore, #tpu.memory_space<semaphore_mem>> -> memref<!tpu.dma_semaphore, #tpu.memory_space<semaphore_mem>>
    tpu.enqueue_indirect_dma source(%dma_start3A_174 : memref<1000x128xf32, #tpu.memory_space<vmem_shared>>) target(%dma_start3A_168 : memref<64x128xf32, #tpu.memory_space<vmem>>) offsets(%dma_start3A_171 : memref<64xi32, #tpu.memory_space<vmem>>) semaphore(%dma_start3A_176 : memref<!tpu.dma_semaphore, #tpu.memory_space<semaphore_mem>>)
    %dma_start3A_177 = arith.constant 0 : i32
    %dma_start3A_178 = arith.constant 3 : i32
    %dma_start3A_179 = arith.constant 0 : i32
    %dma_start3A_180 = arith.constant 3 : i32
    %dma_start3A_181 = arith.constant 0 : i32
    %dma_start3A_182 = arith.constant 0 : i32
    %dma_start3A_183 = arith.constant 0 : i32
    %dma_start3A_184 = tpu.memref_slice %arg10[%dma_start3A_179, %dma_start3A_180, %dma_start3A_182, %dma_start3A_183] : memref<2x4x64x128xf32, #tpu.memory_space<vmem>> -> memref<1x1x64x128xf32, #tpu.memory_space<vmem>>
    %dma_start3A_185 = tpu.memref_squeeze %dma_start3A_184 : memref<1x1x64x128xf32, #tpu.memory_space<vmem>> -> memref<64x128xf32, #tpu.memory_space<vmem>>
    %dma_start3A_186 = arith.constant 0 : i32
    %dma_start3A_187 = tpu.memref_slice %arg9[%dma_start3A_177, %dma_start3A_178, %dma_start3A_186] : memref<2x4x64xi32, #tpu.memory_space<vmem>> -> memref<1x1x64xi32, #tpu.memory_space<vmem>>
    %dma_start3A_188 = tpu.memref_squeeze %dma_start3A_187 : memref<1x1x64xi32, #tpu.memory_space<vmem>> -> memref<64xi32, #tpu.memory_space<vmem>>
    %dma_start3A_189 = arith.constant 0 : i32
    %dma_start3A_190 = arith.constant 0 : i32
    %dma_start3A_191 = tpu.memref_slice %arg14[%dma_start3A_189, %dma_start3A_190] : memref<1000x128xf32, #tpu.memory_space<vmem_shared>> -> memref<1000x128xf32, #tpu.memory_space<vmem_shared>>
    %dma_start3A_192 = tpu.memref_slice %arg16[%dma_start3A_181] : memref<2x!tpu.dma_semaphore, #tpu.memory_space<semaphore_mem>> -> memref<1x!tpu.dma_semaphore, #tpu.memory_space<semaphore_mem>>
    %dma_start3A_193 = tpu.memref_squeeze %dma_start3A_192 : memref<1x!tpu.dma_semaphore, #tpu.memory_space<semaphore_mem>> -> memref<!tpu.dma_semaphore, #tpu.memory_space<semaphore_mem>>
    tpu.enqueue_indirect_dma source(%dma_start3A_191 : memref<1000x128xf32, #tpu.memory_space<vmem_shared>>) target(%dma_start3A_185 : memref<64x128xf32, #tpu.memory_space<vmem>>) offsets(%dma_start3A_188 : memref<64xi32, #tpu.memory_space<vmem>>) semaphore(%dma_start3A_193 : memref<!tpu.dma_semaphore, #tpu.memory_space<semaphore_mem>>)
    %scan3A = arith.constant 0 : i32
    %scan3A_194 = arith.constant 0 : i32
    %scan3A_195 = arith.constant 400 : i32
    %scan3A_196 = arith.addi %scan3A_194, %scan3A_195 : i32
    %scan3A_197 = arith.constant 1 : i32
    %scan3A_198 = scf.for %scan3A_234 = %scan3A_194 to %scan3A_196 step %scan3A_197 iter_args(%scan3A_235 = %scan3A) -> (i32)  : i32 {
      %rem3A = arith.constant 2 : i32
      %rem3A_236 = arith.remsi %scan3A_234, %rem3A : i32
      %add3A_237 = arith.constant 2 : i32
      %add3A_238 = arith.addi %scan3A_234, %add3A_237 : i32
      %lt3A = arith.constant 400 : i32
      %lt3A_239 = arith.cmpi slt, %add3A_238, %lt3A : i32
      %convert_element_type3A_240 = arith.extui %lt3A_239 : i1 to i32
      %cond3A_241 = arith.constant 0 : i32
      %cond3A_242 = arith.cmpi ne, %convert_element_type3A_240, %cond3A_241 : i32
      scf.if %cond3A_242 {
        %add3A_328 = arith.constant 2 : i32
        %add3A_329 = arith.addi %scan3A_234, %add3A_328 : i32
        %mul3A_330 = arith.constant 64 : i32
        %mul3A_331 = arith.muli %add3A_329, %mul3A_330 : i32
        %add3A_332 = arith.addi %mul3A_2, %mul3A_331 : i32
        %mul3A_333 = arith.constant 4 : i32
        %mul3A_334 = arith.muli %add3A_332, %mul3A_333 : i32
        %dma_start3A_335 = arith.constant 0 : i32
        %dma_start3A_336 = tpu.memref_slice %arg8[%rem3A_236, %dma_start3A_335] : memref<2x256xi32, #tpu.memory_space<vmem>> -> memref<1x256xi32, #tpu.memory_space<vmem>>
        %dma_start3A_337 = tpu.memref_squeeze %dma_start3A_336 : memref<1x256xi32, #tpu.memory_space<vmem>> -> memref<256xi32, #tpu.memory_space<vmem>>
        %dma_start3A_338 = tpu.memref_slice %arg2[%mul3A_334] : memref<3276800xi32, #tpu.memory_space<hbm>> -> memref<256xi32, #tpu.memory_space<hbm>>
        %dma_start3A_339 = tpu.memref_slice %arg15[%rem3A_236] : memref<2x!tpu.dma_semaphore, #tpu.memory_space<semaphore_mem>> -> memref<1x!tpu.dma_semaphore, #tpu.memory_space<semaphore_mem>>
        %dma_start3A_340 = tpu.memref_squeeze %dma_start3A_339 : memref<1x!tpu.dma_semaphore, #tpu.memory_space<semaphore_mem>> -> memref<!tpu.dma_semaphore, #tpu.memory_space<semaphore_mem>>
        %dma_start3A_341 = arith.constant 0 : i32
        %dma_start3A_342 = tpu.memref_slice %arg8[%rem3A_236, %dma_start3A_341] : memref<2x256xi32, #tpu.memory_space<vmem>> -> memref<1x256xi32, #tpu.memory_space<vmem>>
        %dma_start3A_343 = tpu.memref_squeeze %dma_start3A_342 : memref<1x256xi32, #tpu.memory_space<vmem>> -> memref<256xi32, #tpu.memory_space<vmem>>
        %dma_start3A_344 = tpu.memref_slice %arg2[%mul3A_334] : memref<3276800xi32, #tpu.memory_space<hbm>> -> memref<256xi32, #tpu.memory_space<hbm>>
        tpu.enqueue_dma source(%dma_start3A_344 : memref<256xi32, #tpu.memory_space<hbm>>) target(%dma_start3A_343 : memref<256xi32, #tpu.memory_space<vmem>>) target_semaphore(%dma_start3A_340 : memref<!tpu.dma_semaphore, #tpu.memory_space<semaphore_mem>>)
      } else {
      }
      %add3A_243 = arith.constant 1 : i32
      %add3A_244 = arith.addi %scan3A_234, %add3A_243 : i32
      %lt3A_245 = arith.constant 400 : i32
      %lt3A_246 = arith.cmpi slt, %add3A_244, %lt3A_245 : i32
      %convert_element_type3A_247 = arith.extui %lt3A_246 : i1 to i32
      %cond3A_248 = arith.constant 0 : i32
      %cond3A_249 = arith.cmpi ne, %convert_element_type3A_247, %cond3A_248 : i32
      scf.if %cond3A_249 {
        %add3A_328 = arith.constant 1 : i32
        %add3A_329 = arith.addi %scan3A_234, %add3A_328 : i32
        %sub3A = arith.constant 1 : i32
        %sub3A_330 = arith.subi %sub3A, %rem3A_236 : i32
        %mul3A_331 = arith.constant 4 : i32
        %mul3A_332 = arith.muli %mul3A_2, %mul3A_331 : i32
        %dma_wait3A_333 = arith.constant 0 : i32
        %dma_wait3A_334 = tpu.memref_slice %arg8[%sub3A_330, %dma_wait3A_333] : memref<2x256xi32, #tpu.memory_space<vmem>> -> memref<1x256xi32, #tpu.memory_space<vmem>>
        %dma_wait3A_335 = tpu.memref_squeeze %dma_wait3A_334 : memref<1x256xi32, #tpu.memory_space<vmem>> -> memref<256xi32, #tpu.memory_space<vmem>>
        %dma_wait3A_336 = tpu.memref_slice %arg2[%mul3A_332] : memref<3276800xi32, #tpu.memory_space<hbm>> -> memref<256xi32, #tpu.memory_space<hbm>>
        %dma_wait3A_337 = tpu.memref_slice %arg15[%sub3A_330] : memref<2x!tpu.dma_semaphore, #tpu.memory_space<semaphore_mem>> -> memref<1x!tpu.dma_semaphore, #tpu.memory_space<semaphore_mem>>
        %dma_wait3A_338 = tpu.memref_squeeze %dma_wait3A_337 : memref<1x!tpu.dma_semaphore, #tpu.memory_space<semaphore_mem>> -> memref<!tpu.dma_semaphore, #tpu.memory_space<semaphore_mem>>
        %dma_wait3A_339 = arith.constant 0 : i32
        %dma_wait3A_340 = tpu.memref_slice %arg8[%sub3A_330, %dma_wait3A_339] : memref<2x256xi32, #tpu.memory_space<vmem>> -> memref<1x256xi32, #tpu.memory_space<vmem>>
        %dma_wait3A_341 = tpu.memref_squeeze %dma_wait3A_340 : memref<1x256xi32, #tpu.memory_space<vmem>> -> memref<256xi32, #tpu.memory_space<vmem>>
        %dma_wait3A_342 = tpu.memref_slice %arg2[%mul3A_332] : memref<3276800xi32, #tpu.memory_space<hbm>> -> memref<256xi32, #tpu.memory_space<hbm>>
        tpu.wait_dma2 semaphore(%dma_wait3A_338 : memref<!tpu.dma_semaphore, #tpu.memory_space<semaphore_mem>>) src(%dma_wait3A_342 : memref<256xi32, #tpu.memory_space<hbm>>) dst(%dma_wait3A_341 : memref<256xi32, #tpu.memory_space<vmem>>)
        %parallel_loop3A_343 = arith.constant 0 : i32
        %parallel_loop3A_344 = arith.constant 4 : i32
        %parallel_loop3A_345 = arith.constant 1 : i32
        scf.for %parallel_loop3A_406 = %parallel_loop3A_343 to %parallel_loop3A_344 step %parallel_loop3A_345  : i32 {
          %parallel_loop3A_407 = tpu.iota {dimensions = array<i32: 0>} : vector<16xi32>
          %parallel_loop3A_408 = arith.constant 4 : i32
          %parallel_loop3A_409 = vector.broadcast %parallel_loop3A_408 : i32 to vector<16xi32>
          %parallel_loop3A_410 = arith.muli %parallel_loop3A_407, %parallel_loop3A_409 : vector<16xi32>
          %parallel_loop3A_411 = arith.constant 64 : i32
          %parallel_loop3A_412 = arith.muli %parallel_loop3A_406, %parallel_loop3A_411 : i32
          %parallel_loop3A_413 = vector.broadcast %parallel_loop3A_412 : i32 to vector<16xi32>
          %parallel_loop3A_414 = arith.addi %parallel_loop3A_410, %parallel_loop3A_413 : vector<16xi32>
          %parallel_loop3A_415 = vector.broadcast %sub3A_330 : i32 to vector<16xi32>
          %parallel_loop3A_416 = arith.constant 0 : i32
          %parallel_loop3A_417 = vector.broadcast %parallel_loop3A_416 : i32 to vector<16xi32>
          %parallel_loop3A_418 = arith.addi %parallel_loop3A_414, %parallel_loop3A_417 : vector<16xi32>
          %parallel_loop3A_419 = tpu.vector_load_idx %arg8[%parallel_loop3A_415, %parallel_loop3A_418] : memref<2x256xi32, #tpu.memory_space<vmem>>[vector<16xi32>, vector<16xi32>], vector<16xi32>,
          %parallel_loop3A_420 = arith.constant 16 : i32
          %parallel_loop3A_421 = arith.muli %parallel_loop3A_406, %parallel_loop3A_420 : i32
          %parallel_loop3A_422 = arith.constant 0 : i32
          %parallel_loop3A_423 = arith.index_cast %sub3A_330 : i32 to index
          %parallel_loop3A_424 = arith.index_cast %parallel_loop3A_422 : i32 to index
          %parallel_loop3A_425 = arith.index_cast %parallel_loop3A_421 : i32 to index
          %parallel_loop3A_426 = tpu.vector_load %arg9[%parallel_loop3A_423, %parallel_loop3A_424, %parallel_loop3A_425] {strides = array<i32>} : memref<2x4x64xi32, #tpu.memory_space<vmem>>, vector<16xi32>,
          tpu.vector_store %arg9[%parallel_loop3A_423, %parallel_loop3A_424, %parallel_loop3A_425], %parallel_loop3A_419 {strides = array<i32>} : memref<2x4x64xi32, #tpu.memory_space<vmem>>, vector<16xi32>,
          %parallel_loop3A_427 = arith.constant 1 : i32
          %parallel_loop3A_428 = vector.broadcast %parallel_loop3A_427 : i32 to vector<16xi32>
          %parallel_loop3A_429 = arith.addi %parallel_loop3A_414, %parallel_loop3A_428 : vector<16xi32>
          %parallel_loop3A_430 = tpu.vector_load_idx %arg8[%parallel_loop3A_415, %parallel_loop3A_429] : memref<2x256xi32, #tpu.memory_space<vmem>>[vector<16xi32>, vector<16xi32>], vector<16xi32>,
          %parallel_loop3A_431 = arith.constant 16 : i32
          %parallel_loop3A_432 = arith.muli %parallel_loop3A_406, %parallel_loop3A_431 : i32
          %parallel_loop3A_433 = arith.constant 1 : i32
          %parallel_loop3A_434 = arith.index_cast %sub3A_330 : i32 to index
          %parallel_loop3A_435 = arith.index_cast %parallel_loop3A_433 : i32 to index
          %parallel_loop3A_436 = arith.index_cast %parallel_loop3A_432 : i32 to index
          %parallel_loop3A_437 = tpu.vector_load %arg9[%parallel_loop3A_434, %parallel_loop3A_435, %parallel_loop3A_436] {strides = array<i32>} : memref<2x4x64xi32, #tpu.memory_space<vmem>>, vector<16xi32>,
          tpu.vector_store %arg9[%parallel_loop3A_434, %parallel_loop3A_435, %parallel_loop3A_436], %parallel_loop3A_430 {strides = array<i32>} : memref<2x4x64xi32, #tpu.memory_space<vmem>>, vector<16xi32>,
          %parallel_loop3A_438 = arith.constant 2 : i32
          %parallel_loop3A_439 = vector.broadcast %parallel_loop3A_438 : i32 to vector<16xi32>
          %parallel_loop3A_440 = arith.addi %parallel_loop3A_414, %parallel_loop3A_439 : vector<16xi32>
          %parallel_loop3A_441 = tpu.vector_load_idx %arg8[%parallel_loop3A_415, %parallel_loop3A_440] : memref<2x256xi32, #tpu.memory_space<vmem>>[vector<16xi32>, vector<16xi32>], vector<16xi32>,
          %parallel_loop3A_442 = arith.constant 16 : i32
          %parallel_loop3A_443 = arith.muli %parallel_loop3A_406, %parallel_loop3A_442 : i32
          %parallel_loop3A_444 = arith.constant 2 : i32
          %parallel_loop3A_445 = arith.index_cast %sub3A_330 : i32 to index
          %parallel_loop3A_446 = arith.index_cast %parallel_loop3A_444 : i32 to index
          %parallel_loop3A_447 = arith.index_cast %parallel_loop3A_443 : i32 to index
          %parallel_loop3A_448 = tpu.vector_load %arg9[%parallel_loop3A_445, %parallel_loop3A_446, %parallel_loop3A_447] {strides = array<i32>} : memref<2x4x64xi32, #tpu.memory_space<vmem>>, vector<16xi32>,
          tpu.vector_store %arg9[%parallel_loop3A_445, %parallel_loop3A_446, %parallel_loop3A_447], %parallel_loop3A_441 {strides = array<i32>} : memref<2x4x64xi32, #tpu.memory_space<vmem>>, vector<16xi32>,
          %parallel_loop3A_449 = arith.constant 3 : i32
          %parallel_loop3A_450 = vector.broadcast %parallel_loop3A_449 : i32 to vector<16xi32>
          %parallel_loop3A_451 = arith.addi %parallel_loop3A_414, %parallel_loop3A_450 : vector<16xi32>
          %parallel_loop3A_452 = tpu.vector_load_idx %arg8[%parallel_loop3A_415, %parallel_loop3A_451] : memref<2x256xi32, #tpu.memory_space<vmem>>[vector<16xi32>, vector<16xi32>], vector<16xi32>,
          %parallel_loop3A_453 = arith.constant 16 : i32
          %parallel_loop3A_454 = arith.muli %parallel_loop3A_406, %parallel_loop3A_453 : i32
          %parallel_loop3A_455 = arith.constant 3 : i32
          %parallel_loop3A_456 = arith.index_cast %sub3A_330 : i32 to index
          %parallel_loop3A_457 = arith.index_cast %parallel_loop3A_455 : i32 to index
          %parallel_loop3A_458 = arith.index_cast %parallel_loop3A_454 : i32 to index
          %parallel_loop3A_459 = tpu.vector_load %arg9[%parallel_loop3A_456, %parallel_loop3A_457, %parallel_loop3A_458] {strides = array<i32>} : memref<2x4x64xi32, #tpu.memory_space<vmem>>, vector<16xi32>,
          tpu.vector_store %arg9[%parallel_loop3A_456, %parallel_loop3A_457, %parallel_loop3A_458], %parallel_loop3A_452 {strides = array<i32>} : memref<2x4x64xi32, #tpu.memory_space<vmem>>, vector<16xi32>,
        } {sc.loop_unroll_factor = 2 : i64, sc.parallel_access}
        %ge3A = arith.constant 2 : i32
        %ge3A_346 = arith.cmpi sge, %add3A_329, %ge3A : i32
        %convert_element_type3A_347 = arith.extui %ge3A_346 : i1 to i32
        %cond3A_348 = arith.constant 0 : i32
        %cond3A_349 = arith.cmpi ne, %convert_element_type3A_347, %cond3A_348 : i32
        scf.if %cond3A_349 {
          %dma_wait3A_406 = arith.constant 0 : i32
          %dma_wait3A_407 = arith.constant 0 : i32
          %dma_wait3A_408 = arith.constant 0 : i32
          %dma_wait3A_409 = tpu.memref_slice %arg10[%sub3A_330, %dma_wait3A_406, %dma_wait3A_407, %dma_wait3A_408] : memref<2x4x64x128xf32, #tpu.memory_space<vmem>> -> memref<1x1x64x128xf32, #tpu.memory_space<vmem>>
          %dma_wait3A_410 = tpu.memref_squeeze %dma_wait3A_409 : memref<1x1x64x128xf32, #tpu.memory_space<vmem>> -> memref<64x128xf32, #tpu.memory_space<vmem>>
          %dma_wait3A_411 = arith.constant 0 : i32
          %dma_wait3A_412 = tpu.memref_slice %arg7[%mul3A_2, %dma_wait3A_411] : memref<819200x128xf32, #tpu.memory_space<hbm>> -> memref<64x128xf32, #tpu.memory_space<hbm>>
          %dma_wait3A_413 = tpu.memref_slice %arg17[%sub3A_330] : memref<2x!tpu.dma_semaphore, #tpu.memory_space<semaphore_mem>> -> memref<1x!tpu.dma_semaphore, #tpu.memory_space<semaphore_mem>>
          %dma_wait3A_414 = tpu.memref_squeeze %dma_wait3A_413 : memref<1x!tpu.dma_semaphore, #tpu.memory_space<semaphore_mem>> -> memref<!tpu.dma_semaphore, #tpu.memory_space<semaphore_mem>>
          %dma_wait3A_415 = arith.constant 0 : i32
          %dma_wait3A_416 = tpu.memref_slice %arg7[%mul3A_2, %dma_wait3A_415] : memref<819200x128xf32, #tpu.memory_space<hbm>> -> memref<64x128xf32, #tpu.memory_space<hbm>>
          %dma_wait3A_417 = arith.constant 0 : i32
          %dma_wait3A_418 = arith.constant 0 : i32
          %dma_wait3A_419 = tpu.memref_slice %arg10[%sub3A_330, %dma_wait3A_406, %dma_wait3A_417, %dma_wait3A_418] : memref<2x4x64x128xf32, #tpu.memory_space<vmem>> -> memref<1x1x64x128xf32, #tpu.memory_space<vmem>>
          %dma_wait3A_420 = tpu.memref_squeeze %dma_wait3A_419 : memref<1x1x64x128xf32, #tpu.memory_space<vmem>> -> memref<64x128xf32, #tpu.memory_space<vmem>>
          tpu.wait_dma2 semaphore(%dma_wait3A_414 : memref<!tpu.dma_semaphore, #tpu.memory_space<semaphore_mem>>) src(%dma_wait3A_420 : memref<64x128xf32, #tpu.memory_space<vmem>>) dst(%dma_wait3A_416 : memref<64x128xf32, #tpu.memory_space<hbm>>)
        } else {
        }
        %dma_start3A_350 = arith.constant 0 : i32
        %dma_start3A_351 = arith.constant 0 : i32
        %dma_start3A_352 = arith.constant 0 : i32
        %dma_start3A_353 = arith.constant 0 : i32
        %dma_start3A_354 = tpu.memref_slice %arg10[%sub3A_330, %dma_start3A_351, %dma_start3A_352, %dma_start3A_353] : memref<2x4x64x128xf32, #tpu.memory_space<vmem>> -> memref<1x1x64x128xf32, #tpu.memory_space<vmem>>
        %dma_start3A_355 = tpu.memref_squeeze %dma_start3A_354 : memref<1x1x64x128xf32, #tpu.memory_space<vmem>> -> memref<64x128xf32, #tpu.memory_space<vmem>>
        %dma_start3A_356 = arith.constant 0 : i32
        %dma_start3A_357 = tpu.memref_slice %arg9[%sub3A_330, %dma_start3A_350, %dma_start3A_356] : memref<2x4x64xi32, #tpu.memory_space<vmem>> -> memref<1x1x64xi32, #tpu.memory_space<vmem>>
        %dma_start3A_358 = tpu.memref_squeeze %dma_start3A_357 : memref<1x1x64xi32, #tpu.memory_space<vmem>> -> memref<64xi32, #tpu.memory_space<vmem>>
        %dma_start3A_359 = arith.constant 0 : i32
        %dma_start3A_360 = arith.constant 0 : i32
        %dma_start3A_361 = tpu.memref_slice %arg11[%dma_start3A_359, %dma_start3A_360] : memref<1000x128xf32, #tpu.memory_space<vmem_shared>> -> memref<1000x128xf32, #tpu.memory_space<vmem_shared>>
        %dma_start3A_362 = tpu.memref_slice %arg16[%sub3A_330] : memref<2x!tpu.dma_semaphore, #tpu.memory_space<semaphore_mem>> -> memref<1x!tpu.dma_semaphore, #tpu.memory_space<semaphore_mem>>
        %dma_start3A_363 = tpu.memref_squeeze %dma_start3A_362 : memref<1x!tpu.dma_semaphore, #tpu.memory_space<semaphore_mem>> -> memref<!tpu.dma_semaphore, #tpu.memory_space<semaphore_mem>>
        tpu.enqueue_indirect_dma source(%dma_start3A_361 : memref<1000x128xf32, #tpu.memory_space<vmem_shared>>) target(%dma_start3A_355 : memref<64x128xf32, #tpu.memory_space<vmem>>) offsets(%dma_start3A_358 : memref<64xi32, #tpu.memory_space<vmem>>) semaphore(%dma_start3A_363 : memref<!tpu.dma_semaphore, #tpu.memory_space<semaphore_mem>>)
        %dma_start3A_364 = arith.constant 1 : i32
        %dma_start3A_365 = arith.constant 1 : i32
        %dma_start3A_366 = arith.constant 0 : i32
        %dma_start3A_367 = arith.constant 0 : i32
        %dma_start3A_368 = tpu.memref_slice %arg10[%sub3A_330, %dma_start3A_365, %dma_start3A_366, %dma_start3A_367] : memref<2x4x64x128xf32, #tpu.memory_space<vmem>> -> memref<1x1x64x128xf32, #tpu.memory_space<vmem>>
        %dma_start3A_369 = tpu.memref_squeeze %dma_start3A_368 : memref<1x1x64x128xf32, #tpu.memory_space<vmem>> -> memref<64x128xf32, #tpu.memory_space<vmem>>
        %dma_start3A_370 = arith.constant 0 : i32
        %dma_start3A_371 = tpu.memref_slice %arg9[%sub3A_330, %dma_start3A_364, %dma_start3A_370] : memref<2x4x64xi32, #tpu.memory_space<vmem>> -> memref<1x1x64xi32, #tpu.memory_space<vmem>>
        %dma_start3A_372 = tpu.memref_squeeze %dma_start3A_371 : memref<1x1x64xi32, #tpu.memory_space<vmem>> -> memref<64xi32, #tpu.memory_space<vmem>>
        %dma_start3A_373 = arith.constant 0 : i32
        %dma_start3A_374 = arith.constant 0 : i32
        %dma_start3A_375 = tpu.memref_slice %arg12[%dma_start3A_373, %dma_start3A_374] : memref<1000x128xf32, #tpu.memory_space<vmem_shared>> -> memref<1000x128xf32, #tpu.memory_space<vmem_shared>>
        %dma_start3A_376 = tpu.memref_slice %arg16[%sub3A_330] : memref<2x!tpu.dma_semaphore, #tpu.memory_space<semaphore_mem>> -> memref<1x!tpu.dma_semaphore, #tpu.memory_space<semaphore_mem>>
        %dma_start3A_377 = tpu.memref_squeeze %dma_start3A_376 : memref<1x!tpu.dma_semaphore, #tpu.memory_space<semaphore_mem>> -> memref<!tpu.dma_semaphore, #tpu.memory_space<semaphore_mem>>
        tpu.enqueue_indirect_dma source(%dma_start3A_375 : memref<1000x128xf32, #tpu.memory_space<vmem_shared>>) target(%dma_start3A_369 : memref<64x128xf32, #tpu.memory_space<vmem>>) offsets(%dma_start3A_372 : memref<64xi32, #tpu.memory_space<vmem>>) semaphore(%dma_start3A_377 : memref<!tpu.dma_semaphore, #tpu.memory_space<semaphore_mem>>)
        %dma_start3A_378 = arith.constant 2 : i32
        %dma_start3A_379 = arith.constant 2 : i32
        %dma_start3A_380 = arith.constant 0 : i32
        %dma_start3A_381 = arith.constant 0 : i32
        %dma_start3A_382 = tpu.memref_slice %arg10[%sub3A_330, %dma_start3A_379, %dma_start3A_380, %dma_start3A_381] : memref<2x4x64x128xf32, #tpu.memory_space<vmem>> -> memref<1x1x64x128xf32, #tpu.memory_space<vmem>>
        %dma_start3A_383 = tpu.memref_squeeze %dma_start3A_382 : memref<1x1x64x128xf32, #tpu.memory_space<vmem>> -> memref<64x128xf32, #tpu.memory_space<vmem>>
        %dma_start3A_384 = arith.constant 0 : i32
        %dma_start3A_385 = tpu.memref_slice %arg9[%sub3A_330, %dma_start3A_378, %dma_start3A_384] : memref<2x4x64xi32, #tpu.memory_space<vmem>> -> memref<1x1x64xi32, #tpu.memory_space<vmem>>
        %dma_start3A_386 = tpu.memref_squeeze %dma_start3A_385 : memref<1x1x64xi32, #tpu.memory_space<vmem>> -> memref<64xi32, #tpu.memory_space<vmem>>
        %dma_start3A_387 = arith.constant 0 : i32
        %dma_start3A_388 = arith.constant 0 : i32
        %dma_start3A_389 = tpu.memref_slice %arg13[%dma_start3A_387, %dma_start3A_388] : memref<1000x128xf32, #tpu.memory_space<vmem_shared>> -> memref<1000x128xf32, #tpu.memory_space<vmem_shared>>
        %dma_start3A_390 = tpu.memref_slice %arg16[%sub3A_330] : memref<2x!tpu.dma_semaphore, #tpu.memory_space<semaphore_mem>> -> memref<1x!tpu.dma_semaphore, #tpu.memory_space<semaphore_mem>>
        %dma_start3A_391 = tpu.memref_squeeze %dma_start3A_390 : memref<1x!tpu.dma_semaphore, #tpu.memory_space<semaphore_mem>> -> memref<!tpu.dma_semaphore, #tpu.memory_space<semaphore_mem>>
        tpu.enqueue_indirect_dma source(%dma_start3A_389 : memref<1000x128xf32, #tpu.memory_space<vmem_shared>>) target(%dma_start3A_383 : memref<64x128xf32, #tpu.memory_space<vmem>>) offsets(%dma_start3A_386 : memref<64xi32, #tpu.memory_space<vmem>>) semaphore(%dma_start3A_391 : memref<!tpu.dma_semaphore, #tpu.memory_space<semaphore_mem>>)
        %dma_start3A_392 = arith.constant 3 : i32
        %dma_start3A_393 = arith.constant 3 : i32
        %dma_start3A_394 = arith.constant 0 : i32
        %dma_start3A_395 = arith.constant 0 : i32
        %dma_start3A_396 = tpu.memref_slice %arg10[%sub3A_330, %dma_start3A_393, %dma_start3A_394, %dma_start3A_395] : memref<2x4x64x128xf32, #tpu.memory_space<vmem>> -> memref<1x1x64x128xf32, #tpu.memory_space<vmem>>
        %dma_start3A_397 = tpu.memref_squeeze %dma_start3A_396 : memref<1x1x64x128xf32, #tpu.memory_space<vmem>> -> memref<64x128xf32, #tpu.memory_space<vmem>>
        %dma_start3A_398 = arith.constant 0 : i32
        %dma_start3A_399 = tpu.memref_slice %arg9[%sub3A_330, %dma_start3A_392, %dma_start3A_398] : memref<2x4x64xi32, #tpu.memory_space<vmem>> -> memref<1x1x64xi32, #tpu.memory_space<vmem>>
        %dma_start3A_400 = tpu.memref_squeeze %dma_start3A_399 : memref<1x1x64xi32, #tpu.memory_space<vmem>> -> memref<64xi32, #tpu.memory_space<vmem>>
        %dma_start3A_401 = arith.constant 0 : i32
        %dma_start3A_402 = arith.constant 0 : i32
        %dma_start3A_403 = tpu.memref_slice %arg14[%dma_start3A_401, %dma_start3A_402] : memref<1000x128xf32, #tpu.memory_space<vmem_shared>> -> memref<1000x128xf32, #tpu.memory_space<vmem_shared>>
        %dma_start3A_404 = tpu.memref_slice %arg16[%sub3A_330] : memref<2x!tpu.dma_semaphore, #tpu.memory_space<semaphore_mem>> -> memref<1x!tpu.dma_semaphore, #tpu.memory_space<semaphore_mem>>
        %dma_start3A_405 = tpu.memref_squeeze %dma_start3A_404 : memref<1x!tpu.dma_semaphore, #tpu.memory_space<semaphore_mem>> -> memref<!tpu.dma_semaphore, #tpu.memory_space<semaphore_mem>>
        tpu.enqueue_indirect_dma source(%dma_start3A_403 : memref<1000x128xf32, #tpu.memory_space<vmem_shared>>) target(%dma_start3A_397 : memref<64x128xf32, #tpu.memory_space<vmem>>) offsets(%dma_start3A_400 : memref<64xi32, #tpu.memory_space<vmem>>) semaphore(%dma_start3A_405 : memref<!tpu.dma_semaphore, #tpu.memory_space<semaphore_mem>>)
      } else {
      }
      %dma_wait3A_250 = arith.constant 0 : i32
      %dma_wait3A_251 = arith.constant 0 : i32
      %dma_wait3A_252 = arith.constant 0 : i32
      %dma_wait3A_253 = arith.constant 0 : i32
      %dma_wait3A_254 = tpu.memref_slice %arg10[%rem3A_236, %dma_wait3A_251, %dma_wait3A_252, %dma_wait3A_253] : memref<2x4x64x128xf32, #tpu.memory_space<vmem>> -> memref<1x1x64x128xf32, #tpu.memory_space<vmem>>
      %dma_wait3A_255 = tpu.memref_squeeze %dma_wait3A_254 : memref<1x1x64x128xf32, #tpu.memory_space<vmem>> -> memref<64x128xf32, #tpu.memory_space<vmem>>
      %dma_wait3A_256 = arith.constant 0 : i32
      %dma_wait3A_257 = tpu.memref_slice %arg9[%rem3A_236, %dma_wait3A_250, %dma_wait3A_256] : memref<2x4x64xi32, #tpu.memory_space<vmem>> -> memref<1x1x64xi32, #tpu.memory_space<vmem>>
      %dma_wait3A_258 = tpu.memref_squeeze %dma_wait3A_257 : memref<1x1x64xi32, #tpu.memory_space<vmem>> -> memref<64xi32, #tpu.memory_space<vmem>>
      %dma_wait3A_259 = arith.constant 0 : i32
      %dma_wait3A_260 = arith.constant 0 : i32
      %dma_wait3A_261 = tpu.memref_slice %arg11[%dma_wait3A_259, %dma_wait3A_260] : memref<1000x128xf32, #tpu.memory_space<vmem_shared>> -> memref<1000x128xf32, #tpu.memory_space<vmem_shared>>
      %dma_wait3A_262 = tpu.memref_slice %arg16[%rem3A_236] : memref<2x!tpu.dma_semaphore, #tpu.memory_space<semaphore_mem>> -> memref<1x!tpu.dma_semaphore, #tpu.memory_space<semaphore_mem>>
      %dma_wait3A_263 = tpu.memref_squeeze %dma_wait3A_262 : memref<1x!tpu.dma_semaphore, #tpu.memory_space<semaphore_mem>> -> memref<!tpu.dma_semaphore, #tpu.memory_space<semaphore_mem>>
      tpu.wait_indirect_dma semaphore(%dma_wait3A_263 : memref<!tpu.dma_semaphore, #tpu.memory_space<semaphore_mem>>) src(%dma_wait3A_261 : memref<1000x128xf32, #tpu.memory_space<vmem_shared>>) dst(%dma_wait3A_255 : memref<64x128xf32, #tpu.memory_space<vmem>>)
      %dma_wait3A_264 = arith.constant 1 : i32
      %dma_wait3A_265 = arith.constant 1 : i32
      %dma_wait3A_266 = arith.constant 0 : i32
      %dma_wait3A_267 = arith.constant 0 : i32
      %dma_wait3A_268 = tpu.memref_slice %arg10[%rem3A_236, %dma_wait3A_265, %dma_wait3A_266, %dma_wait3A_267] : memref<2x4x64x128xf32, #tpu.memory_space<vmem>> -> memref<1x1x64x128xf32, #tpu.memory_space<vmem>>
      %dma_wait3A_269 = tpu.memref_squeeze %dma_wait3A_268 : memref<1x1x64x128xf32, #tpu.memory_space<vmem>> -> memref<64x128xf32, #tpu.memory_space<vmem>>
      %dma_wait3A_270 = arith.constant 0 : i32
      %dma_wait3A_271 = tpu.memref_slice %arg9[%rem3A_236, %dma_wait3A_264, %dma_wait3A_270] : memref<2x4x64xi32, #tpu.memory_space<vmem>> -> memref<1x1x64xi32, #tpu.memory_space<vmem>>
      %dma_wait3A_272 = tpu.memref_squeeze %dma_wait3A_271 : memref<1x1x64xi32, #tpu.memory_space<vmem>> -> memref<64xi32, #tpu.memory_space<vmem>>
      %dma_wait3A_273 = arith.constant 0 : i32
      %dma_wait3A_274 = arith.constant 0 : i32
      %dma_wait3A_275 = tpu.memref_slice %arg12[%dma_wait3A_273, %dma_wait3A_274] : memref<1000x128xf32, #tpu.memory_space<vmem_shared>> -> memref<1000x128xf32, #tpu.memory_space<vmem_shared>>
      %dma_wait3A_276 = tpu.memref_slice %arg16[%rem3A_236] : memref<2x!tpu.dma_semaphore, #tpu.memory_space<semaphore_mem>> -> memref<1x!tpu.dma_semaphore, #tpu.memory_space<semaphore_mem>>
      %dma_wait3A_277 = tpu.memref_squeeze %dma_wait3A_276 : memref<1x!tpu.dma_semaphore, #tpu.memory_space<semaphore_mem>> -> memref<!tpu.dma_semaphore, #tpu.memory_space<semaphore_mem>>
      tpu.wait_indirect_dma semaphore(%dma_wait3A_277 : memref<!tpu.dma_semaphore, #tpu.memory_space<semaphore_mem>>) src(%dma_wait3A_275 : memref<1000x128xf32, #tpu.memory_space<vmem_shared>>) dst(%dma_wait3A_269 : memref<64x128xf32, #tpu.memory_space<vmem>>)
      %dma_wait3A_278 = arith.constant 2 : i32
      %dma_wait3A_279 = arith.constant 2 : i32
      %dma_wait3A_280 = arith.constant 0 : i32
      %dma_wait3A_281 = arith.constant 0 : i32
      %dma_wait3A_282 = tpu.memref_slice %arg10[%rem3A_236, %dma_wait3A_279, %dma_wait3A_280, %dma_wait3A_281] : memref<2x4x64x128xf32, #tpu.memory_space<vmem>> -> memref<1x1x64x128xf32, #tpu.memory_space<vmem>>
      %dma_wait3A_283 = tpu.memref_squeeze %dma_wait3A_282 : memref<1x1x64x128xf32, #tpu.memory_space<vmem>> -> memref<64x128xf32, #tpu.memory_space<vmem>>
      %dma_wait3A_284 = arith.constant 0 : i32
      %dma_wait3A_285 = tpu.memref_slice %arg9[%rem3A_236, %dma_wait3A_278, %dma_wait3A_284] : memref<2x4x64xi32, #tpu.memory_space<vmem>> -> memref<1x1x64xi32, #tpu.memory_space<vmem>>
      %dma_wait3A_286 = tpu.memref_squeeze %dma_wait3A_285 : memref<1x1x64xi32, #tpu.memory_space<vmem>> -> memref<64xi32, #tpu.memory_space<vmem>>
      %dma_wait3A_287 = arith.constant 0 : i32
      %dma_wait3A_288 = arith.constant 0 : i32
      %dma_wait3A_289 = tpu.memref_slice %arg13[%dma_wait3A_287, %dma_wait3A_288] : memref<1000x128xf32, #tpu.memory_space<vmem_shared>> -> memref<1000x128xf32, #tpu.memory_space<vmem_shared>>
      %dma_wait3A_290 = tpu.memref_slice %arg16[%rem3A_236] : memref<2x!tpu.dma_semaphore, #tpu.memory_space<semaphore_mem>> -> memref<1x!tpu.dma_semaphore, #tpu.memory_space<semaphore_mem>>
      %dma_wait3A_291 = tpu.memref_squeeze %dma_wait3A_290 : memref<1x!tpu.dma_semaphore, #tpu.memory_space<semaphore_mem>> -> memref<!tpu.dma_semaphore, #tpu.memory_space<semaphore_mem>>
      tpu.wait_indirect_dma semaphore(%dma_wait3A_291 : memref<!tpu.dma_semaphore, #tpu.memory_space<semaphore_mem>>) src(%dma_wait3A_289 : memref<1000x128xf32, #tpu.memory_space<vmem_shared>>) dst(%dma_wait3A_283 : memref<64x128xf32, #tpu.memory_space<vmem>>)
      %dma_wait3A_292 = arith.constant 3 : i32
      %dma_wait3A_293 = arith.constant 3 : i32
      %dma_wait3A_294 = arith.constant 0 : i32
      %dma_wait3A_295 = arith.constant 0 : i32
      %dma_wait3A_296 = tpu.memref_slice %arg10[%rem3A_236, %dma_wait3A_293, %dma_wait3A_294, %dma_wait3A_295] : memref<2x4x64x128xf32, #tpu.memory_space<vmem>> -> memref<1x1x64x128xf32, #tpu.memory_space<vmem>>
      %dma_wait3A_297 = tpu.memref_squeeze %dma_wait3A_296 : memref<1x1x64x128xf32, #tpu.memory_space<vmem>> -> memref<64x128xf32, #tpu.memory_space<vmem>>
      %dma_wait3A_298 = arith.constant 0 : i32
      %dma_wait3A_299 = tpu.memref_slice %arg9[%rem3A_236, %dma_wait3A_292, %dma_wait3A_298] : memref<2x4x64xi32, #tpu.memory_space<vmem>> -> memref<1x1x64xi32, #tpu.memory_space<vmem>>
      %dma_wait3A_300 = tpu.memref_squeeze %dma_wait3A_299 : memref<1x1x64xi32, #tpu.memory_space<vmem>> -> memref<64xi32, #tpu.memory_space<vmem>>
      %dma_wait3A_301 = arith.constant 0 : i32
      %dma_wait3A_302 = arith.constant 0 : i32
      %dma_wait3A_303 = tpu.memref_slice %arg14[%dma_wait3A_301, %dma_wait3A_302] : memref<1000x128xf32, #tpu.memory_space<vmem_shared>> -> memref<1000x128xf32, #tpu.memory_space<vmem_shared>>
      %dma_wait3A_304 = tpu.memref_slice %arg16[%rem3A_236] : memref<2x!tpu.dma_semaphore, #tpu.memory_space<semaphore_mem>> -> memref<1x!tpu.dma_semaphore, #tpu.memory_space<semaphore_mem>>
      %dma_wait3A_305 = tpu.memref_squeeze %dma_wait3A_304 : memref<1x!tpu.dma_semaphore, #tpu.memory_space<semaphore_mem>> -> memref<!tpu.dma_semaphore, #tpu.memory_space<semaphore_mem>>
      tpu.wait_indirect_dma semaphore(%dma_wait3A_305 : memref<!tpu.dma_semaphore, #tpu.memory_space<semaphore_mem>>) src(%dma_wait3A_303 : memref<1000x128xf32, #tpu.memory_space<vmem_shared>>) dst(%dma_wait3A_297 : memref<64x128xf32, #tpu.memory_space<vmem>>)
      %parallel_loop3A_306 = arith.constant 0 : i32
      %parallel_loop3A_307 = arith.constant 64 : i32
      %parallel_loop3A_308 = arith.constant 1 : i32
      scf.for %parallel_loop3A_328 = %parallel_loop3A_306 to %parallel_loop3A_307 step %parallel_loop3A_308  : i32 {
        %parallel_loop3A_329 = arith.constant 1 : i32
        %parallel_loop3A_330 = arith.index_cast %rem3A_236 : i32 to index
        %parallel_loop3A_331 = arith.index_cast %parallel_loop3A_329 : i32 to index
        %parallel_loop3A_332 = arith.index_cast %parallel_loop3A_328 : i32 to index
        %parallel_loop3A_333 = arith.constant 0 : index
        %parallel_loop3A_334 = tpu.vector_load %arg10[%parallel_loop3A_330, %parallel_loop3A_331, %parallel_loop3A_332, %parallel_loop3A_333] {strides = array<i32>} : memref<2x4x64x128xf32, #tpu.memory_space<vmem>>, vector<16xf32>,
        %parallel_loop3A_335 = arith.constant 2 : i32
        %parallel_loop3A_336 = arith.index_cast %rem3A_236 : i32 to index
        %parallel_loop3A_337 = arith.index_cast %parallel_loop3A_335 : i32 to index
        %parallel_loop3A_338 = arith.index_cast %parallel_loop3A_328 : i32 to index
        %parallel_loop3A_339 = arith.constant 0 : index
        %parallel_loop3A_340 = tpu.vector_load %arg10[%parallel_loop3A_336, %parallel_loop3A_337, %parallel_loop3A_338, %parallel_loop3A_339] {strides = array<i32>} : memref<2x4x64x128xf32, #tpu.memory_space<vmem>>, vector<16xf32>,
        %parallel_loop3A_341 = arith.addf %parallel_loop3A_334, %parallel_loop3A_340 : vector<16xf32>
        %parallel_loop3A_342 = arith.constant 3 : i32
        %parallel_loop3A_343 = arith.index_cast %rem3A_236 : i32 to index
        %parallel_loop3A_344 = arith.index_cast %parallel_loop3A_342 : i32 to index
        %parallel_loop3A_345 = arith.index_cast %parallel_loop3A_328 : i32 to index
        %parallel_loop3A_346 = arith.constant 0 : index
        %parallel_loop3A_347 = tpu.vector_load %arg10[%parallel_loop3A_343, %parallel_loop3A_344, %parallel_loop3A_345, %parallel_loop3A_346] {strides = array<i32>} : memref<2x4x64x128xf32, #tpu.memory_space<vmem>>, vector<16xf32>,
        %parallel_loop3A_348 = arith.addf %parallel_loop3A_341, %parallel_loop3A_347 : vector<16xf32>
        %parallel_loop3A_349 = arith.constant 0 : i32
        %parallel_loop3A_350 = arith.index_cast %rem3A_236 : i32 to index
        %parallel_loop3A_351 = arith.index_cast %parallel_loop3A_349 : i32 to index
        %parallel_loop3A_352 = arith.index_cast %parallel_loop3A_328 : i32 to index
        %parallel_loop3A_353 = arith.constant 0 : index
        %parallel_loop3A_354 = tpu.vector_load %arg10[%parallel_loop3A_350, %parallel_loop3A_351, %parallel_loop3A_352, %parallel_loop3A_353] {strides = array<i32>} : memref<2x4x64x128xf32, #tpu.memory_space<vmem>>, vector<16xf32>,
        tpu.vector_store %arg10[%parallel_loop3A_350, %parallel_loop3A_351, %parallel_loop3A_352, %parallel_loop3A_353], %parallel_loop3A_348 {add = true, strides = array<i32>} : memref<2x4x64x128xf32, #tpu.memory_space<vmem>>, vector<16xf32>,
        %parallel_loop3A_355 = arith.constant 1 : i32
        %parallel_loop3A_356 = arith.index_cast %rem3A_236 : i32 to index
        %parallel_loop3A_357 = arith.index_cast %parallel_loop3A_355 : i32 to index
        %parallel_loop3A_358 = arith.index_cast %parallel_loop3A_328 : i32 to index
        %parallel_loop3A_359 = arith.constant 16 : index
        %parallel_loop3A_360 = tpu.vector_load %arg10[%parallel_loop3A_356, %parallel_loop3A_357, %parallel_loop3A_358, %parallel_loop3A_359] {strides = array<i32>} : memref<2x4x64x128xf32, #tpu.memory_space<vmem>>, vector<16xf32>,
        %parallel_loop3A_361 = arith.constant 2 : i32
        %parallel_loop3A_362 = arith.index_cast %rem3A_236 : i32 to index
        %parallel_loop3A_363 = arith.index_cast %parallel_loop3A_361 : i32 to index
        %parallel_loop3A_364 = arith.index_cast %parallel_loop3A_328 : i32 to index
        %parallel_loop3A_365 = arith.constant 16 : index
        %parallel_loop3A_366 = tpu.vector_load %arg10[%parallel_loop3A_362, %parallel_loop3A_363, %parallel_loop3A_364, %parallel_loop3A_365] {strides = array<i32>} : memref<2x4x64x128xf32, #tpu.memory_space<vmem>>, vector<16xf32>,
        %parallel_loop3A_367 = arith.addf %parallel_loop3A_360, %parallel_loop3A_366 : vector<16xf32>
        %parallel_loop3A_368 = arith.constant 3 : i32
        %parallel_loop3A_369 = arith.index_cast %rem3A_236 : i32 to index
        %parallel_loop3A_370 = arith.index_cast %parallel_loop3A_368 : i32 to index
        %parallel_loop3A_371 = arith.index_cast %parallel_loop3A_328 : i32 to index
        %parallel_loop3A_372 = arith.constant 16 : index
        %parallel_loop3A_373 = tpu.vector_load %arg10[%parallel_loop3A_369, %parallel_loop3A_370, %parallel_loop3A_371, %parallel_loop3A_372] {strides = array<i32>} : memref<2x4x64x128xf32, #tpu.memory_space<vmem>>, vector<16xf32>,
        %parallel_loop3A_374 = arith.addf %parallel_loop3A_367, %parallel_loop3A_373 : vector<16xf32>
        %parallel_loop3A_375 = arith.constant 0 : i32
        %parallel_loop3A_376 = arith.index_cast %rem3A_236 : i32 to index
        %parallel_loop3A_377 = arith.index_cast %parallel_loop3A_375 : i32 to index
        %parallel_loop3A_378 = arith.index_cast %parallel_loop3A_328 : i32 to index
        %parallel_loop3A_379 = arith.constant 16 : index
        %parallel_loop3A_380 = tpu.vector_load %arg10[%parallel_loop3A_376, %parallel_loop3A_377, %parallel_loop3A_378, %parallel_loop3A_379] {strides = array<i32>} : memref<2x4x64x128xf32, #tpu.memory_space<vmem>>, vector<16xf32>,
        tpu.vector_store %arg10[%parallel_loop3A_376, %parallel_loop3A_377, %parallel_loop3A_378, %parallel_loop3A_379], %parallel_loop3A_374 {add = true, strides = array<i32>} : memref<2x4x64x128xf32, #tpu.memory_space<vmem>>, vector<16xf32>,
        %parallel_loop3A_381 = arith.constant 1 : i32
        %parallel_loop3A_382 = arith.index_cast %rem3A_236 : i32 to index
        %parallel_loop3A_383 = arith.index_cast %parallel_loop3A_381 : i32 to index
        %parallel_loop3A_384 = arith.index_cast %parallel_loop3A_328 : i32 to index
        %parallel_loop3A_385 = arith.constant 32 : index
        %parallel_loop3A_386 = tpu.vector_load %arg10[%parallel_loop3A_382, %parallel_loop3A_383, %parallel_loop3A_384, %parallel_loop3A_385] {strides = array<i32>} : memref<2x4x64x128xf32, #tpu.memory_space<vmem>>, vector<16xf32>,
        %parallel_loop3A_387 = arith.constant 2 : i32
        %parallel_loop3A_388 = arith.index_cast %rem3A_236 : i32 to index
        %parallel_loop3A_389 = arith.index_cast %parallel_loop3A_387 : i32 to index
        %parallel_loop3A_390 = arith.index_cast %parallel_loop3A_328 : i32 to index
        %parallel_loop3A_391 = arith.constant 32 : index
        %parallel_loop3A_392 = tpu.vector_load %arg10[%parallel_loop3A_388, %parallel_loop3A_389, %parallel_loop3A_390, %parallel_loop3A_391] {strides = array<i32>} : memref<2x4x64x128xf32, #tpu.memory_space<vmem>>, vector<16xf32>,
        %parallel_loop3A_393 = arith.addf %parallel_loop3A_386, %parallel_loop3A_392 : vector<16xf32>
        %parallel_loop3A_394 = arith.constant 3 : i32
        %parallel_loop3A_395 = arith.index_cast %rem3A_236 : i32 to index
        %parallel_loop3A_396 = arith.index_cast %parallel_loop3A_394 : i32 to index
        %parallel_loop3A_397 = arith.index_cast %parallel_loop3A_328 : i32 to index
        %parallel_loop3A_398 = arith.constant 32 : index
        %parallel_loop3A_399 = tpu.vector_load %arg10[%parallel_loop3A_395, %parallel_loop3A_396, %parallel_loop3A_397, %parallel_loop3A_398] {strides = array<i32>} : memref<2x4x64x128xf32, #tpu.memory_space<vmem>>, vector<16xf32>,
        %parallel_loop3A_400 = arith.addf %parallel_loop3A_393, %parallel_loop3A_399 : vector<16xf32>
        %parallel_loop3A_401 = arith.constant 0 : i32
        %parallel_loop3A_402 = arith.index_cast %rem3A_236 : i32 to index
        %parallel_loop3A_403 = arith.index_cast %parallel_loop3A_401 : i32 to index
        %parallel_loop3A_404 = arith.index_cast %parallel_loop3A_328 : i32 to index
        %parallel_loop3A_405 = arith.constant 32 : index
        %parallel_loop3A_406 = tpu.vector_load %arg10[%parallel_loop3A_402, %parallel_loop3A_403, %parallel_loop3A_404, %parallel_loop3A_405] {strides = array<i32>} : memref<2x4x64x128xf32, #tpu.memory_space<vmem>>, vector<16xf32>,
        tpu.vector_store %arg10[%parallel_loop3A_402, %parallel_loop3A_403, %parallel_loop3A_404, %parallel_loop3A_405], %parallel_loop3A_400 {add = true, strides = array<i32>} : memref<2x4x64x128xf32, #tpu.memory_space<vmem>>, vector<16xf32>,
        %parallel_loop3A_407 = arith.constant 1 : i32
        %parallel_loop3A_408 = arith.index_cast %rem3A_236 : i32 to index
        %parallel_loop3A_409 = arith.index_cast %parallel_loop3A_407 : i32 to index
        %parallel_loop3A_410 = arith.index_cast %parallel_loop3A_328 : i32 to index
        %parallel_loop3A_411 = arith.constant 48 : index
        %parallel_loop3A_412 = tpu.vector_load %arg10[%parallel_loop3A_408, %parallel_loop3A_409, %parallel_loop3A_410, %parallel_loop3A_411] {strides = array<i32>} : memref<2x4x64x128xf32, #tpu.memory_space<vmem>>, vector<16xf32>,
        %parallel_loop3A_413 = arith.constant 2 : i32
        %parallel_loop3A_414 = arith.index_cast %rem3A_236 : i32 to index
        %parallel_loop3A_415 = arith.index_cast %parallel_loop3A_413 : i32 to index
        %parallel_loop3A_416 = arith.index_cast %parallel_loop3A_328 : i32 to index
        %parallel_loop3A_417 = arith.constant 48 : index
        %parallel_loop3A_418 = tpu.vector_load %arg10[%parallel_loop3A_414, %parallel_loop3A_415, %parallel_loop3A_416, %parallel_loop3A_417] {strides = array<i32>} : memref<2x4x64x128xf32, #tpu.memory_space<vmem>>, vector<16xf32>,
        %parallel_loop3A_419 = arith.addf %parallel_loop3A_412, %parallel_loop3A_418 : vector<16xf32>
        %parallel_loop3A_420 = arith.constant 3 : i32
        %parallel_loop3A_421 = arith.index_cast %rem3A_236 : i32 to index
        %parallel_loop3A_422 = arith.index_cast %parallel_loop3A_420 : i32 to index
        %parallel_loop3A_423 = arith.index_cast %parallel_loop3A_328 : i32 to index
        %parallel_loop3A_424 = arith.constant 48 : index
        %parallel_loop3A_425 = tpu.vector_load %arg10[%parallel_loop3A_421, %parallel_loop3A_422, %parallel_loop3A_423, %parallel_loop3A_424] {strides = array<i32>} : memref<2x4x64x128xf32, #tpu.memory_space<vmem>>, vector<16xf32>,
        %parallel_loop3A_426 = arith.addf %parallel_loop3A_419, %parallel_loop3A_425 : vector<16xf32>
        %parallel_loop3A_427 = arith.constant 0 : i32
        %parallel_loop3A_428 = arith.index_cast %rem3A_236 : i32 to index
        %parallel_loop3A_429 = arith.index_cast %parallel_loop3A_427 : i32 to index
        %parallel_loop3A_430 = arith.index_cast %parallel_loop3A_328 : i32 to index
        %parallel_loop3A_431 = arith.constant 48 : index
        %parallel_loop3A_432 = tpu.vector_load %arg10[%parallel_loop3A_428, %parallel_loop3A_429, %parallel_loop3A_430, %parallel_loop3A_431] {strides = array<i32>} : memref<2x4x64x128xf32, #tpu.memory_space<vmem>>, vector<16xf32>,
        tpu.vector_store %arg10[%parallel_loop3A_428, %parallel_loop3A_429, %parallel_loop3A_430, %parallel_loop3A_431], %parallel_loop3A_426 {add = true, strides = array<i32>} : memref<2x4x64x128xf32, #tpu.memory_space<vmem>>, vector<16xf32>,
        %parallel_loop3A_433 = arith.constant 1 : i32
        %parallel_loop3A_434 = arith.index_cast %rem3A_236 : i32 to index
        %parallel_loop3A_435 = arith.index_cast %parallel_loop3A_433 : i32 to index
        %parallel_loop3A_436 = arith.index_cast %parallel_loop3A_328 : i32 to index
        %parallel_loop3A_437 = arith.constant 64 : index
        %parallel_loop3A_438 = tpu.vector_load %arg10[%parallel_loop3A_434, %parallel_loop3A_435, %parallel_loop3A_436, %parallel_loop3A_437] {strides = array<i32>} : memref<2x4x64x128xf32, #tpu.memory_space<vmem>>, vector<16xf32>,
        %parallel_loop3A_439 = arith.constant 2 : i32
        %parallel_loop3A_440 = arith.index_cast %rem3A_236 : i32 to index
        %parallel_loop3A_441 = arith.index_cast %parallel_loop3A_439 : i32 to index
        %parallel_loop3A_442 = arith.index_cast %parallel_loop3A_328 : i32 to index
        %parallel_loop3A_443 = arith.constant 64 : index
        %parallel_loop3A_444 = tpu.vector_load %arg10[%parallel_loop3A_440, %parallel_loop3A_441, %parallel_loop3A_442, %parallel_loop3A_443] {strides = array<i32>} : memref<2x4x64x128xf32, #tpu.memory_space<vmem>>, vector<16xf32>,
        %parallel_loop3A_445 = arith.addf %parallel_loop3A_438, %parallel_loop3A_444 : vector<16xf32>
        %parallel_loop3A_446 = arith.constant 3 : i32
        %parallel_loop3A_447 = arith.index_cast %rem3A_236 : i32 to index
        %parallel_loop3A_448 = arith.index_cast %parallel_loop3A_446 : i32 to index
        %parallel_loop3A_449 = arith.index_cast %parallel_loop3A_328 : i32 to index
        %parallel_loop3A_450 = arith.constant 64 : index
        %parallel_loop3A_451 = tpu.vector_load %arg10[%parallel_loop3A_447, %parallel_loop3A_448, %parallel_loop3A_449, %parallel_loop3A_450] {strides = array<i32>} : memref<2x4x64x128xf32, #tpu.memory_space<vmem>>, vector<16xf32>,
        %parallel_loop3A_452 = arith.addf %parallel_loop3A_445, %parallel_loop3A_451 : vector<16xf32>
        %parallel_loop3A_453 = arith.constant 0 : i32
        %parallel_loop3A_454 = arith.index_cast %rem3A_236 : i32 to index
        %parallel_loop3A_455 = arith.index_cast %parallel_loop3A_453 : i32 to index
        %parallel_loop3A_456 = arith.index_cast %parallel_loop3A_328 : i32 to index
        %parallel_loop3A_457 = arith.constant 64 : index
        %parallel_loop3A_458 = tpu.vector_load %arg10[%parallel_loop3A_454, %parallel_loop3A_455, %parallel_loop3A_456, %parallel_loop3A_457] {strides = array<i32>} : memref<2x4x64x128xf32, #tpu.memory_space<vmem>>, vector<16xf32>,
        tpu.vector_store %arg10[%parallel_loop3A_454, %parallel_loop3A_455, %parallel_loop3A_456, %parallel_loop3A_457], %parallel_loop3A_452 {add = true, strides = array<i32>} : memref<2x4x64x128xf32, #tpu.memory_space<vmem>>, vector<16xf32>,
        %parallel_loop3A_459 = arith.constant 1 : i32
        %parallel_loop3A_460 = arith.index_cast %rem3A_236 : i32 to index
        %parallel_loop3A_461 = arith.index_cast %parallel_loop3A_459 : i32 to index
        %parallel_loop3A_462 = arith.index_cast %parallel_loop3A_328 : i32 to index
        %parallel_loop3A_463 = arith.constant 80 : index
        %parallel_loop3A_464 = tpu.vector_load %arg10[%parallel_loop3A_460, %parallel_loop3A_461, %parallel_loop3A_462, %parallel_loop3A_463] {strides = array<i32>} : memref<2x4x64x128xf32, #tpu.memory_space<vmem>>, vector<16xf32>,
        %parallel_loop3A_465 = arith.constant 2 : i32
        %parallel_loop3A_466 = arith.index_cast %rem3A_236 : i32 to index
        %parallel_loop3A_467 = arith.index_cast %parallel_loop3A_465 : i32 to index
        %parallel_loop3A_468 = arith.index_cast %parallel_loop3A_328 : i32 to index
        %parallel_loop3A_469 = arith.constant 80 : index
        %parallel_loop3A_470 = tpu.vector_load %arg10[%parallel_loop3A_466, %parallel_loop3A_467, %parallel_loop3A_468, %parallel_loop3A_469] {strides = array<i32>} : memref<2x4x64x128xf32, #tpu.memory_space<vmem>>, vector<16xf32>,
        %parallel_loop3A_471 = arith.addf %parallel_loop3A_464, %parallel_loop3A_470 : vector<16xf32>
        %parallel_loop3A_472 = arith.constant 3 : i32
        %parallel_loop3A_473 = arith.index_cast %rem3A_236 : i32 to index
        %parallel_loop3A_474 = arith.index_cast %parallel_loop3A_472 : i32 to index
        %parallel_loop3A_475 = arith.index_cast %parallel_loop3A_328 : i32 to index
        %parallel_loop3A_476 = arith.constant 80 : index
        %parallel_loop3A_477 = tpu.vector_load %arg10[%parallel_loop3A_473, %parallel_loop3A_474, %parallel_loop3A_475, %parallel_loop3A_476] {strides = array<i32>} : memref<2x4x64x128xf32, #tpu.memory_space<vmem>>, vector<16xf32>,
        %parallel_loop3A_478 = arith.addf %parallel_loop3A_471, %parallel_loop3A_477 : vector<16xf32>
        %parallel_loop3A_479 = arith.constant 0 : i32
        %parallel_loop3A_480 = arith.index_cast %rem3A_236 : i32 to index
        %parallel_loop3A_481 = arith.index_cast %parallel_loop3A_479 : i32 to index
        %parallel_loop3A_482 = arith.index_cast %parallel_loop3A_328 : i32 to index
        %parallel_loop3A_483 = arith.constant 80 : index
        %parallel_loop3A_484 = tpu.vector_load %arg10[%parallel_loop3A_480, %parallel_loop3A_481, %parallel_loop3A_482, %parallel_loop3A_483] {strides = array<i32>} : memref<2x4x64x128xf32, #tpu.memory_space<vmem>>, vector<16xf32>,
        tpu.vector_store %arg10[%parallel_loop3A_480, %parallel_loop3A_481, %parallel_loop3A_482, %parallel_loop3A_483], %parallel_loop3A_478 {add = true, strides = array<i32>} : memref<2x4x64x128xf32, #tpu.memory_space<vmem>>, vector<16xf32>,
        %parallel_loop3A_485 = arith.constant 1 : i32
        %parallel_loop3A_486 = arith.index_cast %rem3A_236 : i32 to index
        %parallel_loop3A_487 = arith.index_cast %parallel_loop3A_485 : i32 to index
        %parallel_loop3A_488 = arith.index_cast %parallel_loop3A_328 : i32 to index
        %parallel_loop3A_489 = arith.constant 96 : index
        %parallel_loop3A_490 = tpu.vector_load %arg10[%parallel_loop3A_486, %parallel_loop3A_487, %parallel_loop3A_488, %parallel_loop3A_489] {strides = array<i32>} : memref<2x4x64x128xf32, #tpu.memory_space<vmem>>, vector<16xf32>,
        %parallel_loop3A_491 = arith.constant 2 : i32
        %parallel_loop3A_492 = arith.index_cast %rem3A_236 : i32 to index
        %parallel_loop3A_493 = arith.index_cast %parallel_loop3A_491 : i32 to index
        %parallel_loop3A_494 = arith.index_cast %parallel_loop3A_328 : i32 to index
        %parallel_loop3A_495 = arith.constant 96 : index
        %parallel_loop3A_496 = tpu.vector_load %arg10[%parallel_loop3A_492, %parallel_loop3A_493, %parallel_loop3A_494, %parallel_loop3A_495] {strides = array<i32>} : memref<2x4x64x128xf32, #tpu.memory_space<vmem>>, vector<16xf32>,
        %parallel_loop3A_497 = arith.addf %parallel_loop3A_490, %parallel_loop3A_496 : vector<16xf32>
        %parallel_loop3A_498 = arith.constant 3 : i32
        %parallel_loop3A_499 = arith.index_cast %rem3A_236 : i32 to index
        %parallel_loop3A_500 = arith.index_cast %parallel_loop3A_498 : i32 to index
        %parallel_loop3A_501 = arith.index_cast %parallel_loop3A_328 : i32 to index
        %parallel_loop3A_502 = arith.constant 96 : index
        %parallel_loop3A_503 = tpu.vector_load %arg10[%parallel_loop3A_499, %parallel_loop3A_500, %parallel_loop3A_501, %parallel_loop3A_502] {strides = array<i32>} : memref<2x4x64x128xf32, #tpu.memory_space<vmem>>, vector<16xf32>,
        %parallel_loop3A_504 = arith.addf %parallel_loop3A_497, %parallel_loop3A_503 : vector<16xf32>
        %parallel_loop3A_505 = arith.constant 0 : i32
        %parallel_loop3A_506 = arith.index_cast %rem3A_236 : i32 to index
        %parallel_loop3A_507 = arith.index_cast %parallel_loop3A_505 : i32 to index
        %parallel_loop3A_508 = arith.index_cast %parallel_loop3A_328 : i32 to index
        %parallel_loop3A_509 = arith.constant 96 : index
        %parallel_loop3A_510 = tpu.vector_load %arg10[%parallel_loop3A_506, %parallel_loop3A_507, %parallel_loop3A_508, %parallel_loop3A_509] {strides = array<i32>} : memref<2x4x64x128xf32, #tpu.memory_space<vmem>>, vector<16xf32>,
        tpu.vector_store %arg10[%parallel_loop3A_506, %parallel_loop3A_507, %parallel_loop3A_508, %parallel_loop3A_509], %parallel_loop3A_504 {add = true, strides = array<i32>} : memref<2x4x64x128xf32, #tpu.memory_space<vmem>>, vector<16xf32>,
        %parallel_loop3A_511 = arith.constant 1 : i32
        %parallel_loop3A_512 = arith.index_cast %rem3A_236 : i32 to index
        %parallel_loop3A_513 = arith.index_cast %parallel_loop3A_511 : i32 to index
        %parallel_loop3A_514 = arith.index_cast %parallel_loop3A_328 : i32 to index
        %parallel_loop3A_515 = arith.constant 112 : index
        %parallel_loop3A_516 = tpu.vector_load %arg10[%parallel_loop3A_512, %parallel_loop3A_513, %parallel_loop3A_514, %parallel_loop3A_515] {strides = array<i32>} : memref<2x4x64x128xf32, #tpu.memory_space<vmem>>, vector<16xf32>,
        %parallel_loop3A_517 = arith.constant 2 : i32
        %parallel_loop3A_518 = arith.index_cast %rem3A_236 : i32 to index
        %parallel_loop3A_519 = arith.index_cast %parallel_loop3A_517 : i32 to index
        %parallel_loop3A_520 = arith.index_cast %parallel_loop3A_328 : i32 to index
        %parallel_loop3A_521 = arith.constant 112 : index
        %parallel_loop3A_522 = tpu.vector_load %arg10[%parallel_loop3A_518, %parallel_loop3A_519, %parallel_loop3A_520, %parallel_loop3A_521] {strides = array<i32>} : memref<2x4x64x128xf32, #tpu.memory_space<vmem>>, vector<16xf32>,
        %parallel_loop3A_523 = arith.addf %parallel_loop3A_516, %parallel_loop3A_522 : vector<16xf32>
        %parallel_loop3A_524 = arith.constant 3 : i32
        %parallel_loop3A_525 = arith.index_cast %rem3A_236 : i32 to index
        %parallel_loop3A_526 = arith.index_cast %parallel_loop3A_524 : i32 to index
        %parallel_loop3A_527 = arith.index_cast %parallel_loop3A_328 : i32 to index
        %parallel_loop3A_528 = arith.constant 112 : index
        %parallel_loop3A_529 = tpu.vector_load %arg10[%parallel_loop3A_525, %parallel_loop3A_526, %parallel_loop3A_527, %parallel_loop3A_528] {strides = array<i32>} : memref<2x4x64x128xf32, #tpu.memory_space<vmem>>, vector<16xf32>,
        %parallel_loop3A_530 = arith.addf %parallel_loop3A_523, %parallel_loop3A_529 : vector<16xf32>
        %parallel_loop3A_531 = arith.constant 0 : i32
        %parallel_loop3A_532 = arith.index_cast %rem3A_236 : i32 to index
        %parallel_loop3A_533 = arith.index_cast %parallel_loop3A_531 : i32 to index
        %parallel_loop3A_534 = arith.index_cast %parallel_loop3A_328 : i32 to index
        %parallel_loop3A_535 = arith.constant 112 : index
        %parallel_loop3A_536 = tpu.vector_load %arg10[%parallel_loop3A_532, %parallel_loop3A_533, %parallel_loop3A_534, %parallel_loop3A_535] {strides = array<i32>} : memref<2x4x64x128xf32, #tpu.memory_space<vmem>>, vector<16xf32>,
        tpu.vector_store %arg10[%parallel_loop3A_532, %parallel_loop3A_533, %parallel_loop3A_534, %parallel_loop3A_535], %parallel_loop3A_530 {add = true, strides = array<i32>} : memref<2x4x64x128xf32, #tpu.memory_space<vmem>>, vector<16xf32>,
      } {sc.loop_unroll_factor = 4 : i64, sc.parallel_access}
      %mul3A_309 = arith.constant 64 : i32
      %mul3A_310 = arith.muli %scan3A_234, %mul3A_309 : i32
      %add3A_311 = arith.addi %mul3A_2, %mul3A_310 : i32
      %dma_start3A_312 = arith.constant 0 : i32
      %dma_start3A_313 = arith.constant 0 : i32
      %dma_start3A_314 = arith.constant 0 : i32
      %dma_start3A_315 = tpu.memref_slice %arg10[%rem3A_236, %dma_start3A_312, %dma_start3A_313, %dma_start3A_314] : memref<2x4x64x128xf32, #tpu.memory_space<vmem>> -> memref<1x1x64x128xf32, #tpu.memory_space<vmem>>
      %dma_start3A_316 = tpu.memref_squeeze %dma_start3A_315 : memref<1x1x64x128xf32, #tpu.memory_space<vmem>> -> memref<64x128xf32, #tpu.memory_space<vmem>>
      %dma_start3A_317 = arith.constant 0 : i32
      %dma_start3A_318 = tpu.memref_slice %arg7[%add3A_311, %dma_start3A_317] : memref<819200x128xf32, #tpu.memory_space<hbm>> -> memref<64x128xf32, #tpu.memory_space<hbm>>
      %dma_start3A_319 = tpu.memref_slice %arg17[%rem3A_236] : memref<2x!tpu.dma_semaphore, #tpu.memory_space<semaphore_mem>> -> memref<1x!tpu.dma_semaphore, #tpu.memory_space<semaphore_mem>>
      %dma_start3A_320 = tpu.memref_squeeze %dma_start3A_319 : memref<1x!tpu.dma_semaphore, #tpu.memory_space<semaphore_mem>> -> memref<!tpu.dma_semaphore, #tpu.memory_space<semaphore_mem>>
      %dma_start3A_321 = arith.constant 0 : i32
      %dma_start3A_322 = tpu.memref_slice %arg7[%add3A_311, %dma_start3A_321] : memref<819200x128xf32, #tpu.memory_space<hbm>> -> memref<64x128xf32, #tpu.memory_space<hbm>>
      %dma_start3A_323 = arith.constant 0 : i32
      %dma_start3A_324 = arith.constant 0 : i32
      %dma_start3A_325 = tpu.memref_slice %arg10[%rem3A_236, %dma_start3A_312, %dma_start3A_323, %dma_start3A_324] : memref<2x4x64x128xf32, #tpu.memory_space<vmem>> -> memref<1x1x64x128xf32, #tpu.memory_space<vmem>>
      %dma_start3A_326 = tpu.memref_squeeze %dma_start3A_325 : memref<1x1x64x128xf32, #tpu.memory_space<vmem>> -> memref<64x128xf32, #tpu.memory_space<vmem>>
      tpu.enqueue_dma source(%dma_start3A_326 : memref<64x128xf32, #tpu.memory_space<vmem>>) target(%dma_start3A_322 : memref<64x128xf32, #tpu.memory_space<hbm>>) target_semaphore(%dma_start3A_320 : memref<!tpu.dma_semaphore, #tpu.memory_space<semaphore_mem>>)
      %scan3A_327 = arith.constant 0 : i32
      scf.yield %scan3A_327 : i32
    }
    %scan3A_199 = arith.constant 400 : i32
    %dma_wait3A_200 = arith.constant 0 : i32
    %dma_wait3A_201 = arith.constant 0 : i32
    %dma_wait3A_202 = arith.constant 0 : i32
    %dma_wait3A_203 = arith.constant 0 : i32
    %dma_wait3A_204 = arith.constant 0 : i32
    %dma_wait3A_205 = tpu.memref_slice %arg10[%dma_wait3A_200, %dma_wait3A_201, %dma_wait3A_203, %dma_wait3A_204] : memref<2x4x64x128xf32, #tpu.memory_space<vmem>> -> memref<1x1x64x128xf32, #tpu.memory_space<vmem>>
    %dma_wait3A_206 = tpu.memref_squeeze %dma_wait3A_205 : memref<1x1x64x128xf32, #tpu.memory_space<vmem>> -> memref<64x128xf32, #tpu.memory_space<vmem>>
    %dma_wait3A_207 = arith.constant 0 : i32
    %dma_wait3A_208 = tpu.memref_slice %arg7[%mul3A_2, %dma_wait3A_207] : memref<819200x128xf32, #tpu.memory_space<hbm>> -> memref<64x128xf32, #tpu.memory_space<hbm>>
    %dma_wait3A_209 = tpu.memref_slice %arg17[%dma_wait3A_202] : memref<2x!tpu.dma_semaphore, #tpu.memory_space<semaphore_mem>> -> memref<1x!tpu.dma_semaphore, #tpu.memory_space<semaphore_mem>>
    %dma_wait3A_210 = tpu.memref_squeeze %dma_wait3A_209 : memref<1x!tpu.dma_semaphore, #tpu.memory_space<semaphore_mem>> -> memref<!tpu.dma_semaphore, #tpu.memory_space<semaphore_mem>>
    %dma_wait3A_211 = arith.constant 0 : i32
    %dma_wait3A_212 = tpu.memref_slice %arg7[%mul3A_2, %dma_wait3A_211] : memref<819200x128xf32, #tpu.memory_space<hbm>> -> memref<64x128xf32, #tpu.memory_space<hbm>>
    %dma_wait3A_213 = arith.constant 0 : i32
    %dma_wait3A_214 = arith.constant 0 : i32
    %dma_wait3A_215 = tpu.memref_slice %arg10[%dma_wait3A_200, %dma_wait3A_201, %dma_wait3A_213, %dma_wait3A_214] : memref<2x4x64x128xf32, #tpu.memory_space<vmem>> -> memref<1x1x64x128xf32, #tpu.memory_space<vmem>>
    %dma_wait3A_216 = tpu.memref_squeeze %dma_wait3A_215 : memref<1x1x64x128xf32, #tpu.memory_space<vmem>> -> memref<64x128xf32, #tpu.memory_space<vmem>>
    tpu.wait_dma2 semaphore(%dma_wait3A_210 : memref<!tpu.dma_semaphore, #tpu.memory_space<semaphore_mem>>) src(%dma_wait3A_216 : memref<64x128xf32, #tpu.memory_space<vmem>>) dst(%dma_wait3A_212 : memref<64x128xf32, #tpu.memory_space<hbm>>)
    %dma_wait3A_217 = arith.constant 1 : i32
    %dma_wait3A_218 = arith.constant 0 : i32
    %dma_wait3A_219 = arith.constant 1 : i32
    %dma_wait3A_220 = arith.constant 0 : i32
    %dma_wait3A_221 = arith.constant 0 : i32
    %dma_wait3A_222 = tpu.memref_slice %arg10[%dma_wait3A_217, %dma_wait3A_218, %dma_wait3A_220, %dma_wait3A_221] : memref<2x4x64x128xf32, #tpu.memory_space<vmem>> -> memref<1x1x64x128xf32, #tpu.memory_space<vmem>>
    %dma_wait3A_223 = tpu.memref_squeeze %dma_wait3A_222 : memref<1x1x64x128xf32, #tpu.memory_space<vmem>> -> memref<64x128xf32, #tpu.memory_space<vmem>>
    %dma_wait3A_224 = arith.constant 0 : i32
    %dma_wait3A_225 = tpu.memref_slice %arg7[%mul3A_2, %dma_wait3A_224] : memref<819200x128xf32, #tpu.memory_space<hbm>> -> memref<64x128xf32, #tpu.memory_space<hbm>>
    %dma_wait3A_226 = tpu.memref_slice %arg17[%dma_wait3A_219] : memref<2x!tpu.dma_semaphore, #tpu.memory_space<semaphore_mem>> -> memref<1x!tpu.dma_semaphore, #tpu.memory_space<semaphore_mem>>
    %dma_wait3A_227 = tpu.memref_squeeze %dma_wait3A_226 : memref<1x!tpu.dma_semaphore, #tpu.memory_space<semaphore_mem>> -> memref<!tpu.dma_semaphore, #tpu.memory_space<semaphore_mem>>
    %dma_wait3A_228 = arith.constant 0 : i32
    %dma_wait3A_229 = tpu.memref_slice %arg7[%mul3A_2, %dma_wait3A_228] : memref<819200x128xf32, #tpu.memory_space<hbm>> -> memref<64x128xf32, #tpu.memory_space<hbm>>
    %dma_wait3A_230 = arith.constant 0 : i32
    %dma_wait3A_231 = arith.constant 0 : i32
    %dma_wait3A_232 = tpu.memref_slice %arg10[%dma_wait3A_217, %dma_wait3A_218, %dma_wait3A_230, %dma_wait3A_231] : memref<2x4x64x128xf32, #tpu.memory_space<vmem>> -> memref<1x1x64x128xf32, #tpu.memory_space<vmem>>
    %dma_wait3A_233 = tpu.memref_squeeze %dma_wait3A_232 : memref<1x1x64x128xf32, #tpu.memory_space<vmem>> -> memref<64x128xf32, #tpu.memory_space<vmem>>
    tpu.wait_dma2 semaphore(%dma_wait3A_227 : memref<!tpu.dma_semaphore, #tpu.memory_space<semaphore_mem>>) src(%dma_wait3A_233 : memref<64x128xf32, #tpu.memory_space<vmem>>) dst(%dma_wait3A_229 : memref<64x128xf32, #tpu.memory_space<hbm>>)
    return
  }
}

</mosaic_0001>

<sc_bundles>
// kernel: kernel.3.cloned.1.call-start
scs
__scs_entry_jumppad:
0x0: {  	(pc) =	sbr.rel $0x88, $3  }
0x1: {  	(tag) =	ssettag $0x0;
	lr =	simm.s32 $0x1  }
0x2: {  	[smem:$0x3F9C] =	sst lr;
	_ =	strace $0xD0000000  }
0x3: {  	_ = 	snop  }
0x4: {  	_ = 	snop  }
0x5: {  	_ = 	snop  }
0x6: {  	_ = 	snop  }
0x7: {  	_ = 	snop  }
__scs_overlays_trampoline_lowered:
0x8: {  	[smem:$0x3FAB] =	sst s0  }
0x9: {  	[smem:$0x3FAC] =	sst s1  }
0xa: {  	[smem:$0x3FAD] =	sst s2  }
0xb: {  	[smem:$0x3FAE] =	sst s3  }
0xc: {  	[smem:$0x3FAF] =	sst s4  }
0xd: {  	[smem:$0x3FB0] =	sst s5  }
0xe: {  	[smem:$0x3FB1] =	sst s6  }
0xf: {  	[smem:$0x3FB2] =	sst s7  }
0x10: {  	[smem:$0x3FB3] =	sst s8  }
0x11: {  	[smem:$0x3FB4] =	sst s9;
	s0 =	simm.s32 @!p0 $0x0  }
0x12: {  	s1 =	sld [smem:$0x3F9A];
	s0 =	simm.s32 @p0 $0x1  }
0x13: {  	[smem:$0x3FB5] =	sst s0;
	s0 =	simm.s32 @!p1 $0x0  }
0x14: {  	s2 =	sld [smem:$0x3F99];
	s0 =	simm.s32 @p1 $0x1  }
0x15: {  	[smem:$0x3FB6] =	sst s0;
	s0 =	simm.s32 @!p2 $0x0  }
0x16: {  	s3 =	sld [smem:$0x3FDB];
	s0 =	simm.s32 @p2 $0x1  }
0x17: {  	s4 =	simm.s32 $0x1BF5;
	[smem:$0x3FB8] =	sst s0  }
0x18: {  	s0 =	sld [smem:$0x3F9B];
	_ =	swait.ge [sflag:s4], $0x0  }
0x19: {  	s7 =	sld [smem:$0x3F9C]  }
0x1a: {  	s8 =	sadd.s32 $0xFFFFE003, lr  }
0x1b: {  	s9 =	sadd.s32 $0xFFFFFEF7, lr;
	s5 =	simm.s32 $0xFFFFFFFF;
	p2 =	slt.u32 s8, $0xFFFFF086  }
0x1c: {  	p1 =	slt.u32 s9, $0xF7A;
	s5 =	simm.s32 @!p2 $0x0  }
0x1d: {  	s5 =	simm.s32 @p1 $0x1;
	p0 =	seq.s32 s7, s2  }
0x1e: {  	s7 =	smul.u32 @!p0 $0xF7A, s2;
	p2 =	seq.s32 @!p0 s5, $0x0  }
0x1f: {  	s9 =	smul.u32 $0xF7A, s1;
	s8 =	simm.s32 @!p0 $0x1BF5;
	p2 =	por !p2, p0  }
0x20: {  	[sflag:s8] =	ssyncset.s32 @!p0 $0xFFFFF086;
	s6 =	sadd.s32 @!p0 s3, s7;
	s7 =	simm.s32 @!p0 $0x108  }
0x21: {  	s3 =	sadd.s32 s3, s9;
	s6 =	sadd.s32 @!p0 $0x88, s6;
	s7 =	simm.s32 @p2 $0x1082  }
0x22: {  	[simem:s7], [sflag:s8] =	dma.local @!p0 [hbm:s6], $0xF7A  }
0x23: {  	s9 =	sor.u32 $0xD0000000, s2;
	s6 =	simm.s32 $0x108;
	_ =	swait.ge @!p0 [sflag:s8], $0x0  }
0x24: {  	s3 =	sadd.s32 $0x88, s3;
	s6 =	simm.s32 @!p1 $0x1082;
	[sflag:s4] =	ssyncset.s32 $0xFFFFF086  }
0x25: {  	[simem:s6], [sflag:s4] =	dma.local [hbm:s3], $0xF7A  }
0x26: {  	[smem:$0x3F9C] =	sst s1;
	(tag) =	ssettag s2;
	_ =	strace s9  }
0x27: {  	s1 =	sld [smem:$0x3FAC]  }
0x28: {  	s2 =	sld [smem:$0x3FAD]  }
0x29: {  	s4 =	sld [smem:$0x3FAF]  }
0x2a: {  	p0 =	seq.s32 s5, $0x0;
	s5 =	sld [smem:$0x3FB0]  }
0x2b: {  	s6 =	sld [smem:$0x3FB1]  }
0x2c: {  	s7 =	sld [smem:$0x3FB2]  }
0x2d: {  	s3 =	simm.s32 $0x108;
	s8 =	sld [smem:$0x3FB3]  }
0x2e: {  	s3 =	simm.s32 @!p0 $0x1082;
	s9 =	sld [smem:$0x3FB4]  }
0x2f: {  	lr =	sadd.s32 s0, s3;
	s0 =	sld [smem:$0x3FAB]  }
0x30: {  	s3 =	sld [smem:$0x3FAE]  }
0x31: {  	[smem:$0x3FB7] =	sst s10  }
0x32: {  	s10 =	sld [smem:$0x3FB5];
	_ =	sdelay $0x3  }
0x33: {  	p0 =	seq.s32 s10, $0x1;
	s10 =	sld [smem:$0x3FB7];
	_ =	sdelay $0x3  }
0x34: {  	[smem:$0x3FB7] =	sst s10  }
0x35: {  	s10 =	sld [smem:$0x3FB6];
	_ =	sdelay $0x3  }
0x36: {  	p1 =	seq.s32 s10, $0x1;
	s10 =	sld [smem:$0x3FB7];
	_ =	sdelay $0x3  }
0x37: {  	[smem:$0x3FB7] =	sst s10  }
0x38: {  	s10 =	sld [smem:$0x3FB8]  }
0x39: {  	_ = 	snop;
	(pc) =	sbr.ind lr, $3  }
0x3a: {  	_ = 	snop  }
0x3b: {  	_ = 	snop  }
0x3c: {  	p2 =	seq.s32 s10, $0x1;
	s10 =	sld [smem:$0x3FB7]  }
0x3d: {  	_ =	shalt  }
0x3e: {  	_ =	shalt  }
0x3f: {  	_ =	shalt  }
0x40: {  	_ =	shalt  }
0x41: {  	_ =	shalt  }
0x42: {  	_ =	shalt  }
0x43: {  	_ =	shalt  }
0x44: {  	_ =	shalt  }
0x45: {  	_ =	shalt  }
0x46: {  	_ =	shalt  }
0x47: {  	_ =	shalt  }
0x48: {  	_ =	shalt  }
0x49: {  	_ =	shalt  }
0x4a: {  	_ =	shalt  }
0x4b: {  	_ =	shalt  }
0x4c: {  	_ =	shalt  }
0x4d: {  	_ =	shalt  }
0x4e: {  	_ =	shalt  }
0x4f: {  	_ =	shalt  }
0x50: {  	_ =	shalt  }
0x51: {  	_ =	shalt  }
0x52: {  	_ =	shalt  }
0x53: {  	_ =	shalt  }
0x54: {  	_ =	shalt  }
0x55: {  	_ =	shalt  }
0x56: {  	_ =	shalt  }
0x57: {  	_ =	shalt  }
0x58: {  	_ =	shalt  }
0x59: {  	_ =	shalt  }
0x5a: {  	_ =	shalt  }
0x5b: {  	_ =	shalt  }
0x5c: {  	_ =	shalt  }
0x5d: {  	_ =	shalt  }
0x5e: {  	_ =	shalt  }
0x5f: {  	_ =	shalt  }
0x60: {  	_ =	shalt  }
0x61: {  	_ =	shalt  }
0x62: {  	_ =	shalt  }
0x63: {  	_ =	shalt  }
0x64: {  	_ =	shalt  }
0x65: {  	_ =	shalt  }
0x66: {  	_ =	shalt  }
0x67: {  	_ =	shalt  }
0x68: {  	_ =	shalt  }
0x69: {  	_ =	shalt  }
0x6a: {  	_ =	shalt  }
0x6b: {  	_ =	shalt  }
0x6c: {  	_ =	shalt  }
0x6d: {  	_ =	shalt  }
0x6e: {  	_ =	shalt  }
0x6f: {  	_ =	shalt  }
0x70: {  	_ =	shalt  }
0x71: {  	_ =	shalt  }
0x72: {  	_ =	shalt  }
0x73: {  	_ =	shalt  }
0x74: {  	_ =	shalt  }
0x75: {  	_ =	shalt  }
0x76: {  	_ =	shalt  }
0x77: {  	_ =	shalt  }
0x78: {  	_ =	shalt  }
0x79: {  	_ =	shalt  }
0x7a: {  	_ =	shalt  }
0x7b: {  	_ =	shalt  }
0x7c: {  	_ =	shalt  }
0x7d: {  	_ =	shalt  }
0x7e: {  	_ =	shalt  }
0x7f: {  	_ =	shalt  }
0x80: {  	_ =	shalt  }
0x81: {  	_ =	shalt  }
0x82: {  	_ =	shalt  }
0x83: {  	_ =	shalt  }
0x84: {  	_ =	shalt  }
0x85: {  	_ =	shalt  }
0x86: {  	_ =	shalt  }
0x87: {  	_ =	shalt  }
.Lfunc_end0:
.L_simem_size_0:
called_computation_lowered:
.L_overlay_start_0:
0x88: {  	s2 =	sld [smem:$0x3FD9]  }
0x89: {  	s3 =	sld [smem:$0x3FFE];
	_ =	sdelay $0x1  }
0x8a: {  	s1 =	srdreg.scid  }
0x8b: {  	s0 =	sand.u32 $0x1, s1  }
0x8c: {  	s17 =	sshll.u32 s0, $0xA;
	s2 =	sadd.s32 s3, s2  }
0x8d: {  	s2 =	sadd.s32 s2, s17  }
0x8e: {  	[smem:$0x3FC3] =	sst s2  }
0x8f: {  	_ = 	snop  }
0x90: {  	s2 =	sld [smem:$0x3FC8]  }
0x91: {  	s18 =	sld [smem:$0x3FC7]  }
0x92: {  	s4 =	sld [smem:$0x3FC6]  }
0x93: {  	s5 =	sld [smem:$0x3FC5]  }
0x94: {  	s6 =	sld [smem:$0x3FD0];
	(tm) =	ssettm $0x1  }
0x95: {  	s7 =	sld [smem:$0x3FFB];
	_ =	sdelay $0x3  }
0x96: {  	_ =	strace s7  }
0x97: {  	s7 =	sld [smem:$0x3FFC];
	_ =	sdelay $0x3  }
0x98: {  	_ =	strace s7  }
0x99: {  	s7 =	sld [smem:$0x3FFD];
	_ =	sdelay $0x3  }
0x9a: {  	_ =	strace s7  }
0x9b: {  	_ =	strace $0x8FFFFFFF  }
0x9c: {  	s19 =	sld [smem:$0x3FDB];
	_ =	sdelay $0x1  }
0x9d: {  	s8 =	simm.s32 $_scs_section_size  }
0x9e: {  	s9 =	simm.s32 $_size__tile_overlayer_lowered;
	s10 =	simm.s32 $_tile_overlayer_lowered  }
0x9f: {  	s22 =	simm.s32 $0x1BFF;
	s21 =	sshll.u32 s10, $0x1;
	s7 =	sadd.s32 s8, s19  }
0xa0: {  	s11 =	simm.s32 $0x0;
	s20 =	sshll.u32 s9, $0x1;
	s9 =	sadd.s32 s21, s7  }
0xa1: {  	[timem:s11], [sflag:s22] =	dma.local [hbm:s9], s20  }
0xa2: {  	_ =	swait.ge [sflag:s22], s20  }
0xa3: {  	s8 =	ssub.s32 $0x0, s20;
	[sflag:s22] =	ssyncset.done $0x0  }
0xa4: {  	[sflag:s22] =	ssyncadd.s32 s8;
	_ =	sdelay $0x1  }
0xa5: {  	s23 =	simm.s32 $0x1B8B  }
0xa6: {  	_ =	swait.ge [sflag:s23], $0x1  }
0xa7: {  	[sflag:s23] =	ssyncset.done $0x0  }
0xa8: {  	s25 =	simm.s32 $0x1B8E;
	s24 =	sld [smem:$0x3FFE];
	[sflag:s23] =	ssyncadd.s32 $0xFFFFFFFF  }
0xa9: {  	s26 =	simm.s32 $execute0_lowered;
	[smem:$0x3FD2] =	sst s25  }
0xaa: {  	s9 =	sshll.u32 s26, $0x1;
	_ =	strace $0x80000046;
	[dreg:$0x1] =	wrdreg $0xFFFFFFFF  }
0xab: {  	s28 =	simm.s32 $_size_execute0_lowered;
	s7 =	sadd.s32 s7, s9;
	[dreg:$0x0] =	wrdreg $0x0  }
0xac: {  	s9 =	sshll.u32 s28, $0x1;
	[dreg:$0x2] =	wrdreg s7  }
0xad: {  	[dreg:$0x3] =	wrdreg s9  }
0xae: {  	[dreg:$0x4] =	wrdreg $0xC0  }
0xaf: {  	_ =	task [dreg:s11], $0x5FFFF  }
0xb0: {  	[dreg:$0x1] =	wrdreg $0xFFFFFFFF  }
0xb1: {  	[dreg:$0x0] =	wrdreg $0x60  }
0xb2: {  	[dreg:$0x2] =	wrdreg s24  }
0xb3: {  	[dreg:$0x3] =	wrdreg s2  }
0xb4: {  	[dreg:$0x4] =	wrdreg s18  }
0xb5: {  	[dreg:$0x5] =	wrdreg s4  }
0xb6: {  	[dreg:$0x6] =	wrdreg s5  }
0xb7: {  	[dreg:$0x7] =	wrdreg s6  }
0xb8: {  	[dreg:$0x8] =	wrdreg $0x106000  }
0xb9: {  	[dreg:$0x9] =	wrdreg $0x125400  }
0xba: {  	[dreg:$0xa] =	wrdreg $0x144800  }
0xbb: {  	[dreg:$0xb] =	wrdreg $0x163C00  }
0xbc: {  	[dreg:$0xc] =	wrdreg $0x9  }
0xbd: {  	_ =	task.clear_ibuf [dreg:s11], $0xDFFFF;
	_ =	strace $0x90000046  }
0xbe: {  	s29 =	simm.s32 $0x9;
	_ =	strace $0x80000048  }
0xbf: {  	_ =	swait.ge [sflag:s29], $0x1  }
0xc0: {  	[sflag:s29] =	ssyncadd.s32 $0xFFFFFFFF  }
0xc1: {  	_ =	strace $0x90000048  }
0xc2: {  	_ =	sfence  }
0xc3: {  	s30 =	sld [smem:$0x0];
	_ =	sdelay $0x2  }
0xc4: {  	s31 =	sshll.u32 s1, $0xD;
	s1 =	sshrl.u32 s1, $0x2  }
0xc5: {  	s3 =	sand.u32 $0x4000, s31;
	s1 =	sadd.s32 s1, s30  }
0xc6: {  	s0 =	sor.u32 s3, s0;
	s1 =	sshll.u32 s1, $0x11  }
0xc7: {  	s0 =	sor.u32 s1, s0  }
0xc8: {  	s0 =	sadd.s32 $0x8F2B, s0  }
0xc9: {  	[sflag:s0] =	ssyncadd.remote.s32 $0x1  }
0xca: {  	_ =	sfence.sel $0xFFFF  }
0xcb: {  	[dreg:$0x0] =	wrdreg $0xFFFFFFFF;
	(pc) =	sbr.abs _section_cstart, $3  }
0xcc: {  	[dreg:$0x1] =	wrdreg $0xFFFFFFFF  }
0xcd: {  	_ =	task.clear_ibuf [dreg:s11], $0x2FFFF;
	_ =	strace $0x9FFFFFFF  }
0xce: {  	(tm) =	ssettm $0x7FFFFFFF  }
0xcf: {  	_ =	shalt  }
tec
execute0_lowered:
.L_overlay_start_1:
0x0: {  	(tag) =	ssettag $0x1  }
0x1: {  	s22 =	stileid.u32  }
0x2: {  	p0 =	sgt.s32 s22, $0x3  }
0x3: {  	p4 =	sgt.s32 @p0 s22, $0x5  }
0x4: {  	p1 =	por !p4, !p0  }
0x5: {  	p2 =	seq.s32 @!p1 s22, $0x6  }
0x6: {  	p1 =	por @p0 !p2, !p4  }
0x7: {  	s1 =	simm.s32 @!p1 $0x0  }
0x8: {  	p3 =	por p4, !p0;
	s1 =	simm.s32 @p1 $0x1;
	p1 =	por @p0 p2, !p4  }
0x9: {  	p5 =	seq.s32 @!p3 s22, $0x4;
	[smem:$0x7DE] =	sst s1;
	s1 =	simm.s32 @!p1 $0x0  }
0xa: {  	s1 =	simm.s32 @p1 $0x1;
	p1 =	por @p0 !p5, p4;
	s14 =	sld [smem:$0x7DE]  }
0xb: {  	p6 =	sgt.s32 @!p0 s22, $0x1;
	[smem:$0x7DF] =	sst s1;
	s1 =	simm.s32 @!p1 $0x0  }
0xc: {  	s1 =	simm.s32 @p1 $0x1;
	p1 =	por @p0 p5, p4;
	s15 =	sld [smem:$0x7DF]  }
0xd: {  	p5 =	por !p6, p0;
	[smem:$0x7E0] =	sst s1;
	s1 =	simm.s32 @!p1 $0x0  }
0xe: {  	p5 =	seq.s32 @!p5 s22, $0x2;
	s1 =	simm.s32 @p1 $0x1;
	p1 =	por p6, p0  }
0xf: {  	p3 =	por @!p0 !p5, !p6;
	p5 =	por @!p0 p5, !p6;
	p1 =	seq.s32 @!p1 s22, $0x0  }
0x10: {  	p2 =	por @!p0 !p1, p6;
	p4 =	por @!p0 p1, p6;
	p6 =	seq.s32 s14, $0x1  }
0x11: {  	s16 =	sld [smem:$0x7E0];
	p1 =	por p6, !p0  }
0x12: {  	[smem:$0x7E1] =	sst s1;
	p6 =	seq.s32 s15, $0x1;
	s1 =	simm.s32 @!p1 $0x0  }
0x13: {  	s17 =	sld [smem:$0x7E1];
	s1 =	simm.s32 @p1 $0x1;
	p1 =	por p6, !p0  }
0x14: {  	p6 =	seq.s32 s16, $0x1;
	[smem:$0x7F2] =	sst s1;
	s1 =	simm.s32 @!p1 $0x0  }
0x15: {  	s1 =	simm.s32 @p1 $0x1;
	p1 =	por p6, !p0  }
0x16: {  	p6 =	seq.s32 s17, $0x1;
	[smem:$0x7F3] =	sst s1;
	s1 =	simm.s32 @!p1 $0x0  }
0x17: {  	s1 =	simm.s32 @p1 $0x1;
	p1 =	por p6, !p0  }
0x18: {  	p5 =	por p5, p0;
	[smem:$0x7F4] =	sst s1;
	s1 =	simm.s32 @!p1 $0x0  }
0x19: {  	p6 =	por p2, p0;
	p2 =	sgt.s32 s22, $0xB;
	s1 =	simm.s32 @p1 $0x1  }
0x1a: {  	p1 =	por p3, p0;
	p0 =	por p4, p0;
	p4 =	sgt.s32 @p2 s22, $0xD  }
0x1b: {  	p3 =	por !p4, !p2  }
0x1c: {  	[smem:$0x7F5] =	sst s1;
	s1 =	simm.s32 @!p3 $0x0  }
0x1d: {  	s1 =	simm.s32 @p3 $0x1  }
0x1e: {  	[smem:$0x7E2] =	sst s1  }
0x1f: {  	s18 =	sld [smem:$0x7E2]  }
0x20: {  	p3 =	por p4, !p2  }
0x21: {  	s1 =	simm.s32 @!p3 $0x0  }
0x22: {  	s1 =	simm.s32 @p3 $0x1;
	p3 =	seq.s32 s18, $0x1  }
0x23: {  	[smem:$0x7E3] =	sst s1;
	p3 =	seq.s32 @!p3 s22, $0xE  }
0x24: {  	s19 =	sld [smem:$0x7E3];
	s1 =	simm.s32 @!p3 $0x0  }
0x25: {  	s1 =	simm.s32 @p3 $0x1  }
0x26: {  	[smem:$0x7E4] =	sst s1  }
0x27: {  	p3 =	seq.s32 s19, $0x1;
	s20 =	sld [smem:$0x7E4]  }
0x28: {  	p3 =	seq.s32 @!p3 s22, $0xC  }
0x29: {  	s1 =	simm.s32 @!p3 $0x0  }
0x2a: {  	s21 =	sld [smem:$0x7E4];
	s1 =	simm.s32 @p3 $0x1;
	p3 =	seq.s32 s20, $0x1  }
0x2b: {  	p3 =	por @p2 !p3, !p4  }
0x2c: {  	[smem:$0x7E5] =	sst s1;
	s1 =	simm.s32 @!p3 $0x0  }
0x2d: {  	s28 =	sld [smem:$0x7E5];
	s1 =	simm.s32 @p3 $0x1;
	p3 =	seq.s32 s21, $0x1  }
0x2e: {  	p3 =	por @p2 p3, !p4  }
0x2f: {  	[smem:$0x7EA] =	sst s1;
	s1 =	simm.s32 @!p3 $0x0  }
0x30: {  	s31 =	sld [smem:$0x7E5];
	s1 =	simm.s32 @p3 $0x1;
	p3 =	seq.s32 s28, $0x1  }
0x31: {  	p3 =	por @p2 !p3, p4  }
0x32: {  	[smem:$0x7EB] =	sst s1;
	s1 =	simm.s32 @!p3 $0x0  }
0x33: {  	s1 =	simm.s32 @p3 $0x1;
	p3 =	seq.s32 s31, $0x1  }
0x34: {  	p3 =	por @p2 p3, p4  }
0x35: {  	[smem:$0x7EC] =	sst s1;
	p4 =	sgt.s32 @!p2 s22, $0x9;
	s1 =	simm.s32 @!p3 $0x0  }
0x36: {  	s1 =	simm.s32 @p3 $0x1;
	p3 =	por !p4, p2  }
0x37: {  	[smem:$0x7ED] =	sst s1;
	s1 =	simm.s32 @!p3 $0x0  }
0x38: {  	s1 =	simm.s32 @p3 $0x1  }
0x39: {  	[smem:$0x7E6] =	sst s1  }
0x3a: {  	s2 =	sld [smem:$0x7E6]  }
0x3b: {  	p3 =	por p4, p2  }
0x3c: {  	s0 =	rddreg [dreg:$0x0];
	s1 =	simm.s32 @!p3 $0x0  }
0x3d: {  	s23 =	rddreg [dreg:$0x1];
	s1 =	simm.s32 @p3 $0x1;
	p3 =	seq.s32 s2, $0x1  }
0x3e: {  	[smem:$0x7E7] =	sst s1;
	p3 =	seq.s32 @!p3 s22, $0xA  }
0x3f: {  	s3 =	sld [smem:$0x7E7];
	s1 =	simm.s32 @!p3 $0x0  }
0x40: {  	s24 =	rddreg [dreg:$0x2];
	s1 =	simm.s32 @p3 $0x1  }
0x41: {  	[smem:$0x7E8] =	sst s1  }
0x42: {  	p3 =	seq.s32 s3, $0x1;
	s4 =	sld [smem:$0x7E8]  }
0x43: {  	s25 =	rddreg [dreg:$0x3];
	p3 =	seq.s32 @!p3 s22, $0x8  }
0x44: {  	s26 =	rddreg [dreg:$0x4];
	s1 =	simm.s32 @!p3 $0x0  }
0x45: {  	s10 =	sld [smem:$0x7E8];
	s1 =	simm.s32 @p3 $0x1;
	p3 =	seq.s32 s4, $0x1  }
0x46: {  	s5 =	rddreg [dreg:$0x5];
	p3 =	por @!p2 !p3, !p4  }
0x47: {  	[smem:$0x7E9] =	sst s1;
	s1 =	simm.s32 @!p3 $0x0  }
0x48: {  	s11 =	sld [smem:$0x7E9];
	s1 =	simm.s32 @p3 $0x1;
	p3 =	seq.s32 s10, $0x1  }
0x49: {  	s6 =	rddreg [dreg:$0x6];
	p3 =	por @!p2 p3, !p4  }
0x4a: {  	[smem:$0x7EE] =	sst s1;
	s1 =	simm.s32 @!p3 $0x0  }
0x4b: {  	s12 =	sld [smem:$0x7E9];
	s1 =	simm.s32 @p3 $0x1;
	p3 =	seq.s32 s11, $0x1  }
0x4c: {  	s7 =	rddreg [dreg:$0x7];
	p3 =	por @!p2 !p3, p4  }
0x4d: {  	[smem:$0x7EF] =	sst s1;
	s1 =	simm.s32 @!p3 $0x0  }
0x4e: {  	s2 =	sld [smem:$0x7EA];
	s1 =	simm.s32 @p3 $0x1;
	p3 =	seq.s32 s12, $0x1  }
0x4f: {  	s14 =	sld [smem:$0x7EB];
	p3 =	por @!p2 p3, p4  }
0x50: {  	[smem:$0x7F0] =	sst s1;
	s1 =	simm.s32 @!p3 $0x0  }
0x51: {  	s8 =	rddreg [dreg:$0x8];
	s1 =	simm.s32 @p3 $0x1;
	p3 =	seq.s32 s2, $0x1  }
0x52: {  	s15 =	sld [smem:$0x7EC];
	p4 =	por p3, !p2  }
0x53: {  	s16 =	sld [smem:$0x7ED];
	p3 =	seq.s32 s14, $0x1;
	s2 =	simm.s32 @!p4 $0x0  }
0x54: {  	s17 =	sld [smem:$0x7EE];
	s2 =	simm.s32 @p4 $0x1;
	p4 =	por p3, !p2  }
0x55: {  	p3 =	seq.s32 s15, $0x1;
	[smem:$0x7F6] =	sst s2;
	s2 =	simm.s32 @!p4 $0x0  }
0x56: {  	s18 =	sld [smem:$0x7EF];
	s2 =	simm.s32 @p4 $0x1;
	p4 =	por p3, !p2  }
0x57: {  	p3 =	seq.s32 s16, $0x1;
	[smem:$0x7F7] =	sst s2;
	s2 =	simm.s32 @!p4 $0x0  }
0x58: {  	s19 =	sld [smem:$0x7F0];
	s2 =	simm.s32 @p4 $0x1;
	p4 =	por p3, !p2  }
0x59: {  	p3 =	seq.s32 s17, $0x1;
	[smem:$0x7F8] =	sst s2;
	s2 =	simm.s32 @!p4 $0x0  }
0x5a: {  	s2 =	simm.s32 @p4 $0x1;
	p4 =	por p3, p2;
	p3 =	seq.s32 s18, $0x1  }
0x5b: {  	s9 =	rddreg [dreg:$0x9];
	s13 =	srdreg.scid;
	p3 =	por p3, p2  }
0x5c: {  	s11 =	simm.s32 $0x0;
	[smem:$0x7F9] =	sst s2;
	s2 =	simm.s32 @!p3 $0x0  }
0x5d: {  	[smem:$0x7FF] =	sst s11;
	s2 =	simm.s32 @p3 $0x1;
	p3 =	seq.s32 s19, $0x1  }
0x5e: {  	s29 =	simm.s32 $0x5;
	[smem:$0x7F1] =	sst s1;
	p3 =	por p3, p2  }
0x5f: {  	s4 =	sshll.u32 s22, $0x1;
	[smem:$0x7FB] =	sst s2;
	s2 =	simm.s32 @!p3 $0x0  }
0x60: {  	s1 =	sand.u32 $0x1, s13;
	s20 =	sld [smem:$0x7F1];
	s2 =	simm.s32 @p3 $0x1  }
0x61: {  	s21 =	ssub.s32 $0x2, s1;
	s1 =	sor.u32 s1, s4;
	[smem:$0x7FC] =	sst s2  }
0x62: {  	s3 =	sshrl.u32 s21, $0x1;
	s13 =	smul.u32 $0x3200, s1;
	_ =	strace $0x80000047  }
0x63: {  	s14 =	smul.u32 $0x19000, s1;
	s28 =	ssub.s32 s21, s3;
	s31 =	sld [smem:$0x7F2]  }
0x64: {  	s15 =	smul.u32 $0x320000, s1;
	s16 =	smax.u32 s28, $0x1;
	s1 =	sld [smem:$0x7F3]  }
0x65: {  	s17 =	sadd.s32 $0x8000, s8;
	p3 =	seq.s32 s20, $0x1;
	s28 =	sld [smem:$0x7F5]  }
0x66: {  	p3 =	por p3, p2;
	p2 =	seq.s32 s31, $0x1;
	s31 =	sld [smem:$0x7F6]  }
0x67: {  	s12 =	sadd.s32 $0x400, s0;
	s0 =	sshrl.u32 @!p2 s17, $0x3;
	s17 =	sld [smem:$0x7F4]  }
0x68: {  	s30 =	simm.s32 $0x0;
	p2 =	seq.s32 s1, $0x1;
	s1 =	sld [smem:$0x7F7]  }
0x69: {  	s10 =	sadd.s32 $0x10000, s8;
	s3 =	sadd.s32 $0x8000, s9;
	[dreg:$0xb] =	wrdreg s0  }
0x6a: {  	s4 =	sadd.s32 $0x18000, s8;
	s0 =	sshrl.u32 @!p2 s3, $0x3;
	s3 =	sld [smem:$0x7F8]  }
0x6b: {  	s21 =	sadd.s32 $0x8000, s6;
	[dreg:$0xc] =	wrdreg s0;
	p2 =	seq.s32 s17, $0x1  }
0x6c: {  	s13 =	sadd.s32 s12, s13;
	s17 =	sld [smem:$0x7FC];
	s0 =	sshrl.u32 @!p2 s21, $0x3  }
0x6d: {  	s19 =	sadd.s32 $0x8000, s7;
	s21 =	sadd.s32 $0x3000, s25;
	[dreg:$0xd] =	wrdreg s0  }
0x6e: {  	p2 =	seq.s32 s28, $0x1;
	s28 =	sadd.s32 $0x2000, s24;
	[dreg:$0x1a] =	wrdreg s21  }
0x6f: {  	s18 =	sadd.s32 $0x18000, s7;
	s0 =	sshrl.u32 @!p2 s19, $0x3;
	[dreg:$0x1e] =	wrdreg s28  }
0x70: {  	s20 =	sadd.s32 $0x18000, s6;
	p2 =	seq.s32 s31, $0x1;
	[dreg:$0xe] =	wrdreg s0  }
0x71: {  	s19 =	sadd.s32 $0x2000, s26;
	s0 =	sshrl.u32 @!p2 s4, $0x3;
	s4 =	sld [smem:$0x7F9]  }
0x72: {  	s2 =	sadd.s32 $0x18000, s9;
	p2 =	seq.s32 s1, $0x1;
	[dreg:$0x18] =	wrdreg s19  }
0x73: {  	[dreg:$0xf] =	wrdreg s0;
	s0 =	sshrl.u32 @!p2 s2, $0x3;
	p2 =	seq.s32 s3, $0x1  }
0x74: {  	[dreg:$0x10] =	wrdreg s0;
	s0 =	sshrl.u32 @!p2 s20, $0x3;
	p2 =	seq.s32 s4, $0x1  }
0x75: {  	s14 =	sor.u32 $0x200, s14;
	[dreg:$0x11] =	wrdreg s0;
	s0 =	sshrl.u32 @!p2 s18, $0x3  }
0x76: {  	s31 =	sadd.s32 $0x1000, s24;
	[dreg:$0x12] =	wrdreg s0;
	s0 =	simm.s32 @!p4 $0x0  }
0x77: {  	s21 =	sadd.s32 $0x20, s13;
	[dreg:$0x1f] =	wrdreg s31;
	s0 =	simm.s32 @p4 $0x1  }
0x78: {  	s1 =	sadd.s32 $0x10000, s7;
	s19 =	sadd.s32 $0x2000, s23;
	[smem:$0x7FA] =	sst s0  }
0x79: {  	s20 =	sadd.s32 $0x1000, s26;
	s0 =	sshrl.u32 @!p4 s10, $0x3;
	s10 =	sld [smem:$0x7FB]  }
0x7a: {  	s2 =	sadd.s32 $0x10000, s6;
	[dreg:$0x19] =	wrdreg s20;
	s18 =	sadd.s32 $0x3000, s26  }
0x7b: {  	s20 =	sadd.s32 $0x1000, s23;
	s26 =	sadd.s32 $0x3000, s24;
	[dreg:$0x17] =	wrdreg s18  }
0x7c: {  	[dreg:$0x13] =	wrdreg s0;
	s0 =	sadd.s32 $0x10000, s9;
	p2 =	seq.s32 s10, $0x1  }
0x7d: {  	[dreg:$0x1d] =	wrdreg s26;
	s0 =	sshrl.u32 @!p2 s0, $0x3;
	p2 =	seq.s32 s17, $0x1  }
0x7e: {  	v0 =	vlaneseq.u32;
	s18 =	sadd.s32 $0x3000, s23;
	[dreg:$0x14] =	wrdreg s0;
	s0 =	sshrl.u32 @!p2 s2, $0x3  }
0x7f: {  	v0 =	vmul.u32 $0x4, v0;
	p2 =	por p3, p3;
	[dreg:$0x15] =	wrdreg s0;
	s0 =	sshrl.u32 @!p3 s1, $0x3  }
0x80: {  	p3 =	sgt.s32 s22, $0x7;
	s22 =	sadd.s32 $0x2000, s25;
	[dreg:$0x16] =	wrdreg s0  }
0x81: {  	v1 =	vor.u32 $0x1, v0;
	s25 =	sadd.s32 $0x1000, s25;
	s0 =	simm.s32 @!p3 $0x0;
	[dreg:$0x1b] =	wrdreg s22  }
0x82: {  	v2 =	vor.u32 $0x2, v0;
	v3 =	vor.u32 $0x3, v0;
	v4 =	vor.u32 $0x40, v0;
	s23 =	simm.s32 $0x1;
	[dreg:$0x1c] =	wrdreg s25;
	s0 =	simm.s32 @p3 $0x1  }
0x83: {  	v5 =	vor.u32 $0x41, v0;
	v6 =	vor.u32 $0x42, v0;
	v7 =	vor.u32 $0x43, v0;
	s26 =	simm.s32 $0x6;
	s22 =	simm.s32 $0x40;
	[smem:$0x7FD] =	sst s0  }
.LBB2_1:
0x84: {  	s0 =	sld [smem:$0x7FD];
	_ =	sdelay $0x2  }
0x85: {  	p3 =	seq.s32 s0, $0x1  }
.Ltmp0:
0x86: {  	_ = 	snop;
	(pc) =	sbr.rel @p3 .LBB2_3-.Ltmp0, $1  }
0x87: {  	_ =	sdelay $0x3  }
0x88: {  	s0 =	sld [smem:$0x7F2];
	_ =	sdelay $0x2  }
0x89: {  	s1 =	rddreg [dreg:$0xb];
	p3 =	seq.s32 s0, $0x1  }
0x8a: {  	s2 =	rddreg [dreg:$0x1c];
	s0 =	simm.s32 @!p3 $0x1D87  }
0x8b: {  	[spmem:s1], [sflag:s0] =	dma.local @!p3 [hbm:s2], $0x1000  }
0x8c: {  	s0 =	simm.s32 @!p3 $0x7  }
0x8d: {  	_ =	swait.ge @!p3 [sflag:s0], $0x1000  }
0x8e: {  	s25 =	sld [smem:$0x7F3];
	_ =	sdelay $0x1  }
0x8f: {  	[sflag:s0] =	ssyncset.done @!p3 $0x0  }
0x90: {  	s1 =	rddreg [dreg:$0xc];
	[sflag:s0] =	ssyncadd.s32 @!p3 $0xFFFFF000;
	p3 =	seq.s32 s25, $0x1  }
0x91: {  	s2 =	rddreg [dreg:$0x19];
	s0 =	simm.s32 @!p3 $0x1DC7  }
0x92: {  	[spmem:s1], [sflag:s0] =	dma.local @!p3 [hbm:s2], $0x1000  }
0x93: {  	s0 =	simm.s32 @!p3 $0x7  }
0x94: {  	_ =	swait.ge @!p3 [sflag:s0], $0x1000  }
0x95: {  	s28 =	sld [smem:$0x7F4];
	_ =	sdelay $0x1  }
0x96: {  	[sflag:s0] =	ssyncset.done @!p3 $0x0  }
0x97: {  	[sflag:s0] =	ssyncadd.s32 @!p3 $0xFFFFF000;
	p3 =	seq.s32 s28, $0x1  }
0x98: {  	s1 =	rddreg [dreg:$0xd];
	s0 =	simm.s32 @!p3 $0x1D07  }
0x99: {  	[spmem:s1], [sflag:s0] =	dma.local @!p3 [hbm:s20], $0x1000  }
0x9a: {  	s0 =	simm.s32 @!p3 $0x7  }
0x9b: {  	_ =	swait.ge @!p3 [sflag:s0], $0x1000  }
0x9c: {  	s31 =	sld [smem:$0x7F5];
	_ =	sdelay $0x1  }
0x9d: {  	[sflag:s0] =	ssyncset.done @!p3 $0x0  }
0x9e: {  	s1 =	rddreg [dreg:$0xe];
	[sflag:s0] =	ssyncadd.s32 @!p3 $0xFFFFF000;
	p3 =	seq.s32 s31, $0x1  }
0x9f: {  	s2 =	rddreg [dreg:$0x1f];
	s0 =	simm.s32 @!p3 $0x1D47  }
0xa0: {  	[spmem:s1], [sflag:s0] =	dma.local @!p3 [hbm:s2], $0x1000  }
0xa1: {  	s0 =	simm.s32 @!p3 $0x7  }
0xa2: {  	_ =	swait.ge @!p3 [sflag:s0], $0x1000  }
0xa3: {  	[sflag:s0] =	ssyncset.done @!p3 $0x0  }
0xa4: {  	[sflag:s0] =	ssyncadd.s32 @!p3 $0xFFFFF000  }
0xa5: {  	s1 =	simm.s32 @!p1 $0x1C87;
	s0 =	sshrl.u32 @!p1 s8, $0x3;
	s2 =	rddreg [dreg:$0x3]  }
0xa6: {  	[spmem:s0], [sflag:s1] =	dma.local @!p1 [hbm:s2], $0x1000  }
0xa7: {  	s0 =	simm.s32 @!p1 $0x7  }
0xa8: {  	_ =	swait.ge @!p1 [sflag:s0], $0x1000  }
0xa9: {  	[sflag:s0] =	ssyncset.done @!p1 $0x0  }
0xaa: {  	[sflag:s0] =	ssyncadd.s32 @!p1 $0xFFFFF000  }
0xab: {  	s1 =	simm.s32 @!p5 $0x1CC7;
	s0 =	sshrl.u32 @!p5 s9, $0x3;
	s2 =	rddreg [dreg:$0x4]  }
0xac: {  	[spmem:s0], [sflag:s1] =	dma.local @!p5 [hbm:s2], $0x1000  }
0xad: {  	s0 =	simm.s32 @!p5 $0x7  }
0xae: {  	_ =	swait.ge @!p5 [sflag:s0], $0x1000  }
0xaf: {  	[sflag:s0] =	ssyncset.done @!p5 $0x0  }
0xb0: {  	[sflag:s0] =	ssyncadd.s32 @!p5 $0xFFFFF000  }
0xb1: {  	s1 =	simm.s32 @!p6 $0x1C07;
	s0 =	sshrl.u32 @!p6 s6, $0x3;
	s2 =	rddreg [dreg:$0x1]  }
0xb2: {  	[spmem:s0], [sflag:s1] =	dma.local @!p6 [hbm:s2], $0x1000  }
0xb3: {  	s0 =	simm.s32 @!p6 $0x7  }
0xb4: {  	_ =	swait.ge @!p6 [sflag:s0], $0x1000  }
0xb5: {  	[sflag:s0] =	ssyncset.done @!p6 $0x0  }
0xb6: {  	[sflag:s0] =	ssyncadd.s32 @!p6 $0xFFFFF000  }
0xb7: {  	s1 =	simm.s32 @!p0 $0x1C47;
	s0 =	sshrl.u32 @!p0 s7, $0x3;
	s2 =	rddreg [dreg:$0x2]  }
0xb8: {  	[spmem:s0], [sflag:s1] =	dma.local @!p0 [hbm:s2], $0x1000  }
.Ltmp1:
0xb9: {  	_ = 	snop;
	(pc) =	sbr.rel .LBB2_4-.Ltmp1, $4  }
0xba: {  	s0 =	simm.s32 @!p0 $0x7  }
0xbb: {  	_ =	swait.ge @!p0 [sflag:s0], $0x1000  }
0xbc: {  	[sflag:s0] =	ssyncset.done @!p0 $0x0  }
0xbd: {  	[sflag:s0] =	ssyncadd.s32 @!p0 $0xFFFFF000  }
.LBB2_3:
0xbe: {  	s0 =	sld [smem:$0x7F6];
	_ =	sdelay $0x2  }
0xbf: {  	s1 =	rddreg [dreg:$0xf];
	p3 =	seq.s32 s0, $0x1  }
0xc0: {  	s2 =	rddreg [dreg:$0x1a];
	s0 =	simm.s32 @!p3 $0x1F87  }
0xc1: {  	[spmem:s1], [sflag:s0] =	dma.local @!p3 [hbm:s2], $0xE80  }
0xc2: {  	s0 =	simm.s32 @!p3 $0x7  }
0xc3: {  	_ =	swait.ge @!p3 [sflag:s0], $0xE80  }
0xc4: {  	s10 =	sld [smem:$0x7F7];
	_ =	sdelay $0x1  }
0xc5: {  	[sflag:s0] =	ssyncset.done @!p3 $0x0  }
0xc6: {  	s1 =	rddreg [dreg:$0x10];
	[sflag:s0] =	ssyncadd.s32 @!p3 $0xFFFFF180;
	p3 =	seq.s32 s10, $0x1  }
0xc7: {  	s2 =	rddreg [dreg:$0x17];
	s0 =	simm.s32 @!p3 $0x1FC7  }
0xc8: {  	[spmem:s1], [sflag:s0] =	dma.local @!p3 [hbm:s2], $0xE80  }
0xc9: {  	s0 =	simm.s32 @!p3 $0x7  }
0xca: {  	_ =	swait.ge @!p3 [sflag:s0], $0xE80  }
0xcb: {  	s17 =	sld [smem:$0x7F8];
	_ =	sdelay $0x1  }
0xcc: {  	[sflag:s0] =	ssyncset.done @!p3 $0x0  }
0xcd: {  	[sflag:s0] =	ssyncadd.s32 @!p3 $0xFFFFF180;
	p3 =	seq.s32 s17, $0x1  }
0xce: {  	s1 =	rddreg [dreg:$0x11];
	s0 =	simm.s32 @!p3 $0x1F07  }
0xcf: {  	[spmem:s1], [sflag:s0] =	dma.local @!p3 [hbm:s18], $0xE80  }
0xd0: {  	s0 =	simm.s32 @!p3 $0x7  }
0xd1: {  	_ =	swait.ge @!p3 [sflag:s0], $0xE80  }
0xd2: {  	s24 =	sld [smem:$0x7F9];
	_ =	sdelay $0x1  }
0xd3: {  	[sflag:s0] =	ssyncset.done @!p3 $0x0  }
0xd4: {  	s1 =	rddreg [dreg:$0x12];
	[sflag:s0] =	ssyncadd.s32 @!p3 $0xFFFFF180;
	p3 =	seq.s32 s24, $0x1  }
0xd5: {  	s2 =	rddreg [dreg:$0x1d];
	s0 =	simm.s32 @!p3 $0x1F47  }
0xd6: {  	[spmem:s1], [sflag:s0] =	dma.local @!p3 [hbm:s2], $0xE80  }
0xd7: {  	s0 =	simm.s32 @!p3 $0x7  }
0xd8: {  	_ =	swait.ge @!p3 [sflag:s0], $0xE80  }
0xd9: {  	s25 =	sld [smem:$0x7FA];
	_ =	sdelay $0x1  }
0xda: {  	[sflag:s0] =	ssyncset.done @!p3 $0x0  }
0xdb: {  	s1 =	rddreg [dreg:$0x13];
	[sflag:s0] =	ssyncadd.s32 @!p3 $0xFFFFF180;
	p3 =	seq.s32 s25, $0x1  }
0xdc: {  	s2 =	rddreg [dreg:$0x1b];
	s0 =	simm.s32 @!p3 $0x1E87  }
0xdd: {  	[spmem:s1], [sflag:s0] =	dma.local @!p3 [hbm:s2], $0x1000  }
0xde: {  	s0 =	simm.s32 @!p3 $0x7  }
0xdf: {  	_ =	swait.ge @!p3 [sflag:s0], $0x1000  }
0xe0: {  	s28 =	sld [smem:$0x7FB];
	_ =	sdelay $0x1  }
0xe1: {  	[sflag:s0] =	ssyncset.done @!p3 $0x0  }
0xe2: {  	s1 =	rddreg [dreg:$0x14];
	[sflag:s0] =	ssyncadd.s32 @!p3 $0xFFFFF000;
	p3 =	seq.s32 s28, $0x1  }
0xe3: {  	s2 =	rddreg [dreg:$0x18];
	s0 =	simm.s32 @!p3 $0x1EC7  }
0xe4: {  	[spmem:s1], [sflag:s0] =	dma.local @!p3 [hbm:s2], $0x1000  }
0xe5: {  	s0 =	simm.s32 @!p3 $0x7  }
0xe6: {  	_ =	swait.ge @!p3 [sflag:s0], $0x1000  }
0xe7: {  	s31 =	sld [smem:$0x7FC];
	_ =	sdelay $0x1  }
0xe8: {  	[sflag:s0] =	ssyncset.done @!p3 $0x0  }
0xe9: {  	[sflag:s0] =	ssyncadd.s32 @!p3 $0xFFFFF000;
	p3 =	seq.s32 s31, $0x1  }
0xea: {  	s1 =	rddreg [dreg:$0x15];
	s0 =	simm.s32 @!p3 $0x1E07  }
0xeb: {  	[spmem:s1], [sflag:s0] =	dma.local @!p3 [hbm:s19], $0x1000  }
0xec: {  	s0 =	simm.s32 @!p3 $0x7  }
0xed: {  	_ =	swait.ge @!p3 [sflag:s0], $0x1000  }
0xee: {  	[sflag:s0] =	ssyncset.done @!p3 $0x0;
	s1 =	rddreg [dreg:$0x16]  }
0xef: {  	s2 =	rddreg [dreg:$0x1e];
	[sflag:s0] =	ssyncadd.s32 @!p3 $0xFFFFF000;
	s0 =	simm.s32 @!p2 $0x1E47  }
0xf0: {  	[spmem:s1], [sflag:s0] =	dma.local @!p2 [hbm:s2], $0x1000  }
0xf1: {  	s0 =	simm.s32 @!p2 $0x7  }
0xf2: {  	_ =	swait.ge @!p2 [sflag:s0], $0x1000  }
0xf3: {  	[sflag:s0] =	ssyncset.done @!p2 $0x0  }
0xf4: {  	[sflag:s0] =	ssyncadd.s32 @!p2 $0xFFFFF000  }
.LBB2_4:
0xf5: {  	[bflag:$0x0] =	sbarrier.arrive $0xFFFF;
	s0 =	simm.s32 $0x0  }
0xf6: {  	[tilespmem:s0], [sflag:$0x1] =	stream.linear.gather [hbm4b:s13+s0], $0x80, $0x38;
	[tilespmem:$0x18300] =	vst v63  }
0xf7: {  	s1 =	sadd.s32 $0x10, s13;
	s2 =	simm.s32 $0x100  }
0xf8: {  	[tilespmem:s2], [sflag:$0x1] =	stream.linear.gather [hbm4b:s1+s0], $0x80, $0x38;
	[tilespmem:$0x18300] =	vst v63  }
0xf9: {  	s25 =	simm.s32 $0x80  }
0xfa: {  	[tilespmem:s25], [sflag:$0x2] =	stream.linear.gather [hbm4b:s21+s0], $0x80, $0x38;
	[tilespmem:$0x18300] =	vst v63  }
0xfb: {  	s28 =	sadd.s32 $0x10, s21;
	s31 =	simm.s32 $0x180  }
0xfc: {  	[tilespmem:s31], [sflag:$0x2] =	stream.linear.gather [hbm4b:s28+s0], $0x80, $0x38;
	[tilespmem:$0x18300] =	vst v63  }
0xfd: {  	_ =	swait.ge [sflag:s23], $0x100  }
0xfe: {  	[sflag:s23] =	ssyncset.done $0x0  }
0xff: {  	p4 =	por $0x1, $0x1;
	[sflag:s23] =	ssyncadd.s32 $0xFFFFFF00  }
.LBB2_5:
0x100: {  	s1 =	sor.u32 $0x1, s0  }
0x101: {  	s2 =	sshll.u32 s0, $0x6;
	s3 =	sshll.u32 s1, $0x6  }
0x102: {  	v8 =	vmov s2;
	v9 =	vmov s3  }
0x103: {  	v8 =	vshll.u32 v8, $0x1;
	v9 =	vshll.u32 v9, $0x1  }
0x104: {  	v8 =	vbroadcast v8, $0x0;
	v9 =	vand.u32 $0x100, v9  }
0x105: {  	v9 =	vbroadcast v9, $0x0  }
0x106: {  	v10 =	vor.u32 v0, v8  }
0x107: {  	v11 =	vor.u32 v4, v9;
	_ =	sdelay $0x3  }
0x108: {  	v10 =	vld.idx.msk [tilespmem:v10+s11+$0x0], $0xffff  }
0x109: {  	v12 =	vor.u32 v1, v8;
	v11 =	vld.idx.msk [tilespmem:v11+s11+$0x0], $0xffff  }
0x10a: {  	v13 =	vor.u32 v5, v9;
	_ =	sdelay $0x1  }
0x10b: {  	s31 =	sshll.u32 s0, $0x4  }
0x10c: {  	s1 =	sshll.u32 s1, $0x4;
	[tilespmem:s31+$0x200] =	vst v10  }
0x10d: {  	v10 =	vld.idx.msk [tilespmem:v12+s11+$0x0], $0xffff;
	[tilespmem:s1+$0x200] =	vst v11  }
0x10e: {  	v60 =	vor.u32 v2, v8;
	v61 =	vld.idx.msk [tilespmem:v13+s11+$0x0], $0xffff  }
0x10f: {  	v62 =	vor.u32 v6, v9;
	_ =	sdelay $0x2  }
0x110: {  	[tilespmem:s31+$0x280] =	vst v10  }
0x111: {  	v10 =	vld.idx.msk [tilespmem:v60+s11+$0x0], $0xffff;
	[tilespmem:s1+$0x280] =	vst v61  }
0x112: {  	v8 =	vor.u32 v3, v8;
	v63 =	vld.idx.msk [tilespmem:v62+s11+$0x0], $0xffff  }
0x113: {  	v9 =	vor.u32 v7, v9;
	_ =	sdelay $0x2  }
0x114: {  	[tilespmem:s31+$0x300] =	vst v10  }
0x115: {  	v8 =	vld.idx.msk [tilespmem:v8+s11+$0x0], $0xffff;
	[tilespmem:s1+$0x300] =	vst v63  }
0x116: {  	p3 =	por p4, p4;
	v9 =	vld.idx.msk [tilespmem:v9+s11+$0x0], $0xffff  }
.Ltmp2:
0x117: {  	_ = 	snop;
	(pc) =	sbr.rel @p3 .LBB2_5-.Ltmp2, $3  }
0x118: {  	_ =	sdelay $0x1  }
0x119: {  	[tilespmem:s31+$0x380] =	vst v8  }
0x11a: {  	s0 =	simm.s32 $0x2;
	p4 =	por $0x0, $0x0;
	[tilespmem:s1+$0x380] =	vst v9  }
0x11b: {  	s0 =	simm.s32 $0x200;
	s1 =	simm.s32 $0x600  }
0x11c: {  	[tilespmem:s1], [sflag:$0x3] =	stream.indirect.gather [spmem:s6], $0x80, s0, s22, $0xb8;
	[tilespmem:$0x18300] =	vst v63  }
0x11d: {  	s4 =	simm.s32 $0x280;
	s10 =	simm.s32 $0x2600  }
0x11e: {  	[tilespmem:s10], [sflag:$0x3] =	stream.indirect.gather [spmem:s7], $0x80, s4, s22, $0xb8;
	[tilespmem:$0x18300] =	vst v63  }
0x11f: {  	s17 =	simm.s32 $0x300;
	s24 =	simm.s32 $0x4600  }
0x120: {  	[tilespmem:s24], [sflag:$0x3] =	stream.indirect.gather [spmem:s8], $0x80, s17, s22, $0xb8;
	[tilespmem:$0x18300] =	vst v63  }
0x121: {  	s25 =	simm.s32 $0x380;
	s28 =	simm.s32 $0x6600;
	s31 =	simm.s32 $0x0  }
0x122: {  	[tilespmem:s28], [sflag:$0x3] =	stream.indirect.gather [spmem:s9], $0x80, s25, s22, $0xb8;
	[tilespmem:$0x18300] =	vst v63  }
.LBB2_7:
0x123: {  	p3 =	sgt.u32 s31, $0x18D  }
.Ltmp3:
0x124: {  	_ = 	snop;
	(pc) =	sbr.rel @p3 .LBB2_9-.Ltmp3, $2  }
0x125: {  	_ =	sdelay $0x2  }
0x126: {  	s10 =	sand.u32 $0x1, s31  }
0x127: {  	s0 =	sshll.u32 s31, $0x8  }
0x128: {  	s0 =	sadd.s32 s0, s14  }
.Ltmp4:
0x129: {  	s1 =	sshll.u32 s31, $0x7;
	s0 =	sshrl.u32 s0, $0x3;
	(pc) =	sbr.rel .LBB2_10-.Ltmp4, $4  }
0x12a: {  	s2 =	sadd.s32 $0x1, s10;
	s1 =	sand.u32 $0x80, s1;
	s0 =	sadd.s32 s12, s0  }
0x12b: {  	[tilespmem:s1], [sflag:s2] =	stream.linear.gather [hbm4b:s0+s11], $0x80, $0x38;
	[tilespmem:$0x18300] =	vst v63  }
0x12c: {  	s0 =	sadd.s32 $0x10, s0;
	s1 =	sor.u32 $0x100, s1  }
0x12d: {  	[tilespmem:s1], [sflag:s2] =	stream.linear.gather [hbm4b:s0+s11], $0x80, $0x38;
	[tilespmem:$0x18300] =	vst v63  }
.LBB2_9:
0x12e: {  	p3 =	seq.s32 s31, $0x18F  }
.Ltmp5:
0x12f: {  	_ = 	snop;
	(pc) =	sbr.rel @p3 .LBB2_13-.Ltmp5, $2  }
0x130: {  	_ =	sdelay $0x2  }
0x131: {  	s24 =	simm.s32 $0x190  }
.LBB2_10:
0x132: {  	s0 =	sxor.u32 $0x1, s10  }
0x133: {  	v8 =	vmov s0  }
0x134: {  	s24 =	sadd.s32 $0x1, s31;
	s3 =	sadd.s32 $0x1, s0;
	s1 =	sshll.u32 s0, $0x9;
	v8 =	vshll.u32 v8, $0x7  }
0x135: {  	_ =	swait.ge [sflag:s3], $0x100;
	s25 =	sadd.s32 $0x200, s1;
	s2 =	sadd.s32 $0x280, s1;
	v9 =	vbroadcast v8, $0x0  }
0x136: {  	s28 =	sadd.s32 $0x300, s1;
	s1 =	sadd.s32 $0x380, s1;
	[sflag:s3] =	ssyncset.done $0x0;
	v11 =	vmov s25;
	v12 =	vmov s2  }
0x137: {  	p3 =	por $0x1, $0x1;
	v13 =	vmov s28;
	v14 =	vmov s1;
	[sflag:s3] =	ssyncadd.s32 $0xFFFFFF00;
	s3 =	simm.s32 $0x0;
	v10 =	vor.u32 v4, v9  }
.LBB2_11:
0x138: {  	s4 =	sshll.u32 s3, $0x6;
	s17 =	sor.u32 $0x1, s3  }
0x139: {  	v15 =	vmov s4;
	s4 =	sshll.u32 s17, $0x6  }
0x13a: {  	v16 =	vmov s4;
	v15 =	vshll.u32 v15, $0x1  }
0x13b: {  	v15 =	vadd.s32 v8, v15;
	v16 =	vshll.u32 v16, $0x1  }
0x13c: {  	v15 =	vbroadcast v15, $0x0;
	v16 =	vand.u32 $0x100, v16  }
0x13d: {  	v16 =	vbroadcast v16, $0x0  }
0x13e: {  	v17 =	vor.u32 v0, v15  }
0x13f: {  	v18 =	vor.u32 v10, v16;
	_ =	sdelay $0x3  }
0x140: {  	v17 =	vld.idx.msk [tilespmem:v17+s11+$0x0], $0xffff  }
0x141: {  	v19 =	vor.u32 v1, v15;
	v16 =	vor.u32 v9, v16;
	v18 =	vld.idx.msk [tilespmem:v18+s11+$0x0], $0xffff  }
0x142: {  	v20 =	vor.u32 v5, v16;
	_ =	sdelay $0x1  }
0x143: {  	s4 =	sshll.u32 s3, $0x4  }
0x144: {  	s17 =	sshll.u32 s17, $0x4;
	[tilespmem:v11+s4+$0x0 ss:$0x1] =	vst.idx.msk $0xffff, v17  }
0x145: {  	v17 =	vld.idx.msk [tilespmem:v19+s11+$0x0], $0xffff;
	[tilespmem:v11+s17+$0x0 ss:$0x1] =	vst.idx.msk $0xffff, v18  }
0x146: {  	v60 =	vor.u32 v2, v15;
	v61 =	vld.idx.msk [tilespmem:v20+s11+$0x0], $0xffff  }
0x147: {  	v62 =	vor.u32 v6, v16;
	_ =	sdelay $0x2  }
0x148: {  	[tilespmem:v12+s4+$0x0 ss:$0x1] =	vst.idx.msk $0xffff, v17  }
0x149: {  	[tilespmem:v12+s17+$0x0 ss:$0x1] =	vst.idx.msk $0xffff, v61;
	v17 =	vld.idx.msk [tilespmem:v60+s11+$0x0], $0xffff  }
0x14a: {  	v15 =	vor.u32 v3, v15;
	v63 =	vld.idx.msk [tilespmem:v62+s11+$0x0], $0xffff  }
0x14b: {  	v16 =	vor.u32 v7, v16;
	_ =	sdelay $0x2  }
0x14c: {  	[tilespmem:v13+s4+$0x0 ss:$0x1] =	vst.idx.msk $0xffff, v17  }
0x14d: {  	[tilespmem:v13+s17+$0x0 ss:$0x1] =	vst.idx.msk $0xffff, v63;
	v15 =	vld.idx.msk [tilespmem:v15+s11+$0x0], $0xffff  }
0x14e: {  	p4 =	por p3, p3;
	v16 =	vld.idx.msk [tilespmem:v16+s11+$0x0], $0xffff  }
.Ltmp6:
0x14f: {  	_ = 	snop;
	(pc) =	sbr.rel @p4 .LBB2_11-.Ltmp6, $3  }
0x150: {  	_ =	sdelay $0x1  }
0x151: {  	[tilespmem:v14+s4+$0x0 ss:$0x1] =	vst.idx.msk $0xffff, v15  }
0x152: {  	p3 =	por $0x0, $0x0;
	s3 =	simm.s32 $0x2;
	[tilespmem:v14+s17+$0x0 ss:$0x1] =	vst.idx.msk $0xffff, v16  }
0x153: {  	p3 =	seq.s32 s31, $0x0  }
0x154: {  	s3 =	sadd.s32 @!p3 $0x5, s0  }
0x155: {  	_ =	swait.ge @!p3 [sflag:s3], $0x2000  }
0x156: {  	s4 =	sshll.u32 s0, $0xF;
	[sflag:s3] =	ssyncset.done @!p3 $0x0  }
0x157: {  	s17 =	sor.u32 $0x600, s4;
	s0 =	sadd.s32 $0x3, s0;
	[sflag:s3] =	ssyncadd.s32 @!p3 $0xFFFFE000  }
0x158: {  	[tilespmem:s17], [sflag:s0] =	stream.indirect.gather [spmem:s6], $0x80, s25, s22, $0xb8;
	[tilespmem:$0x18300] =	vst v63  }
0x159: {  	s17 =	sor.u32 $0x2600, s4  }
0x15a: {  	[tilespmem:s17], [sflag:s0] =	stream.indirect.gather [spmem:s7], $0x80, s2, s22, $0xb8;
	[tilespmem:$0x18300] =	vst v63  }
0x15b: {  	s25 =	sor.u32 $0x4600, s4  }
0x15c: {  	[tilespmem:s25], [sflag:s0] =	stream.indirect.gather [spmem:s8], $0x80, s28, s22, $0xb8;
	[tilespmem:$0x18300] =	vst v63  }
0x15d: {  	s28 =	sor.u32 $0x6600, s4  }
0x15e: {  	[tilespmem:s28], [sflag:s0] =	stream.indirect.gather [spmem:s9], $0x80, s1, s22, $0xb8;
	[tilespmem:$0x18300] =	vst v63  }
.LBB2_13:
0x15f: {  	s1 =	sadd.s32 $0x3, s10  }
0x160: {  	_ =	swait.ge [sflag:s1], $0x2000  }
0x161: {  	[sflag:s1] =	ssyncset.done $0x0  }
0x162: {  	[sflag:s1] =	ssyncadd.s32 $0xFFFFE000  }
0x163: {  	_ =	swait.ge [sflag:s1], $0x2000  }
0x164: {  	[sflag:s1] =	ssyncset.done $0x0  }
0x165: {  	[sflag:s1] =	ssyncadd.s32 $0xFFFFE000  }
0x166: {  	_ =	swait.ge [sflag:s1], $0x2000  }
0x167: {  	[sflag:s1] =	ssyncset.done $0x0  }
0x168: {  	[sflag:s1] =	ssyncadd.s32 $0xFFFFE000  }
0x169: {  	_ =	swait.ge [sflag:s1], $0x2000  }
0x16a: {  	s0 =	sshll.u32 s10, $0xF;
	[sflag:s1] =	ssyncset.done $0x0  }
0x16b: {  	s28 =	sor.u32 $0x600, s0;
	[sflag:s1] =	ssyncadd.s32 $0xFFFFE000  }
0x16c: {  	v8 =	vld [tilespmem:s28+$0x6000]  }
0x16d: {  	v9 =	vld [tilespmem:s28+$0x6010]  }
0x16e: {  	v10 =	vld [tilespmem:s28+$0x2000]  }
0x16f: {  	v14 =	vld [tilespmem:s28+$0x61C0]  }
0x170: {  	v12 =	vld [tilespmem:s28+$0x61F0]  }
0x171: {  	v11 =	vld [tilespmem:s28+$0x41F0]  }
0x172: {  	v15 =	vld [tilespmem:s28+$0x6180]  }
0x173: {  	v16 =	vld [tilespmem:s28+$0x61E0]  }
0x174: {  	v13 =	vld [tilespmem:s28+$0x21F0]  }
0x175: {  	v17 =	vld [tilespmem:s28+$0x41E0]  }
0x176: {  	v18 =	vld [tilespmem:s28+$0x21E0]  }
0x177: {  	v19 =	vld [tilespmem:s28+$0x61B0]  }
0x178: {  	v20 =	vld [tilespmem:s28+$0x61D0]  }
0x179: {  	v21 =	vld [tilespmem:s28+$0x41D0]  }
0x17a: {  	v22 =	vld [tilespmem:s28+$0x21D0]  }
0x17b: {  	v60 =	vld [tilespmem:s28+$0x41C0]  }
0x17c: {  	v62 =	vld [tilespmem:s28+$0x61A0]  }
0x17d: {  	v63 =	vld [tilespmem:s28+$0x6150]  }
0x17e: {  	v32 =	vld [tilespmem:s28+$0x6190]  }
0x17f: {  	v33 =	vld [tilespmem:s28+$0x21C0]  }
0x180: {  	v34 =	vld [tilespmem:s28+$0x41B0]  }
0x181: {  	v35 =	vld [tilespmem:s28+$0x21B0]  }
0x182: {  	v23 =	vld [tilespmem:s28+$0x41A0]  }
0x183: {  	v24 =	vld [tilespmem:s28+$0x21A0]  }
0x184: {  	v25 =	vld [tilespmem:s28+$0x4190]  }
0x185: {  	v26 =	vld [tilespmem:s28+$0x2190]  }
0x186: {  	v38 =	vld [tilespmem:s28+$0x4130]  }
0x187: {  	v39 =	vld [tilespmem:s28+$0x6160]  }
0x188: {  	v40 =	vld [tilespmem:s28+$0x6140]  }
0x189: {  	v41 =	vld [tilespmem:s28+$0x6130]  }
0x18a: {  	v42 =	vld [tilespmem:s28+$0x6170]  }
0x18b: {  	v43 =	vld [tilespmem:s28+$0x4180]  }
0x18c: {  	v44 =	vld [tilespmem:s28+$0x2180]  }
0x18d: {  	v45 =	vld [tilespmem:s28+$0x4170]  }
0x18e: {  	v46 =	vld [tilespmem:s28+$0x2170]  }
0x18f: {  	v27 =	vld [tilespmem:s28+$0x4160]  }
0x190: {  	v28 =	vld [tilespmem:s28+$0x2160]  }
0x191: {  	v29 =	vld [tilespmem:s28+$0x4150]  }
0x192: {  	v47 =	vld [tilespmem:s28+$0x2150]  }
0x193: {  	v30 =	vld [tilespmem:s28+$0x4140]  }
0x194: {  	v48 =	vld [tilespmem:s28+$0x2140]  }
0x195: {  	v50 =	vld [tilespmem:s28+$0x2130]  }
0x196: {  	v52 =	vld [tilespmem:s28+$0x60A0]  }
0x197: {  	v53 =	vld [tilespmem:s28+$0x4090]  }
0x198: {  	v54 =	vld [tilespmem:s28+$0x60B0]  }
0x199: {  	v55 =	vld [tilespmem:s28+$0x40A0]  }
0x19a: {  	v56 =	vld [tilespmem:s28+$0x60D0]  }
0x19b: {  	v57 =	vld [tilespmem:s28+$0x60E0]  }
0x19c: {  	v31 =	vld [tilespmem:s28+$0x20D0]  }
0x19d: {  	v58 =	vld [tilespmem:s28+$0x20F0]  }
0x19e: {  	v59 =	vld [tilespmem:s28+$0x20E0]  }
0x19f: {  	v13 =	vadd.f32 v11, v13;
	v11 =	vld [tilespmem:s28+$0x6040]  }
0x1a0: {  	v61 =	vadd.f32 v21, v22;
	v21 =	vadd.f32 v34, v35;
	v34 =	vld [tilespmem:s28+$0x6110]  }
0x1a1: {  	v35 =	vld [tilespmem:s28+$0x6120]  }
0x1a2: {  	v36 =	vadd.f32 v23, v24;
	v23 =	vadd.f32 v43, v44;
	v43 =	vld [tilespmem:s28+$0x40F0]  }
0x1a3: {  	v44 =	vld [tilespmem:s28+$0x20B0]  }
0x1a4: {  	v37 =	vadd.f32 v25, v26;
	v25 =	vadd.f32 v45, v46;
	v45 =	vld [tilespmem:s28+$0x20A0]  }
0x1a5: {  	v17 =	vadd.f32 v17, v18;
	v46 =	vld [tilespmem:s28+$0x2090]  }
0x1a6: {  	v24 =	vadd.f32 v29, v47;
	v12 =	vadd.f32 v12, v13;
	v13 =	vld [tilespmem:s28+$0x6060]  }
0x1a7: {  	v19 =	vadd.f32 v19, v21;
	v21 =	vld [tilespmem:s28+$0x6080]  }
0x1a8: {  	v16 =	vadd.f32 v16, v17;
	v18 =	vadd.f32 v63, v24;
	v24 =	vld [tilespmem:s28+$0x4080]  }
0x1a9: {  	v17 =	vadd.f32 v20, v61;
	v20 =	vadd.f32 v32, v37;
	v32 =	vld [tilespmem:s28+$0x60F0]  }
0x1aa: {  	v37 =	vld [tilespmem:s28+$0x2120]  }
0x1ab: {  	v22 =	vadd.f32 v42, v25;
	v42 =	vld [tilespmem:s28+$0x4100]  }
0x1ac: {  	v61 =	vld [tilespmem:s28+$0x40C0]  }
0x1ad: {  	v63 =	vld [tilespmem:s28+$0x40B0]  }
0x1ae: {  	v15 =	vadd.f32 v15, v23;
	v23 =	vadd.f32 v30, v48;
	v48 =	vld [tilespmem:s28+$0x2080]  }
0x1af: {  	[tilespmem:s28+$0x1F0] =	vst.add.f32.msk $0xffff, v12  }
0x1b0: {  	[tilespmem:s28+$0x1E0] =	vst.add.f32.msk $0xffff, v16  }
0x1b1: {  	[tilespmem:s28+$0x1D0] =	vst.add.f32.msk $0xffff, v17  }
0x1b2: {  	v12 =	vld [tilespmem:s28+$0x6020]  }
0x1b3: {  	[tilespmem:s28+$0x1B0] =	vst.add.f32.msk $0xffff, v19  }
0x1b4: {  	[tilespmem:s28+$0x190] =	vst.add.f32.msk $0xffff, v20  }
0x1b5: {  	[tilespmem:s28+$0x180] =	vst.add.f32.msk $0xffff, v15  }
0x1b6: {  	[tilespmem:s28+$0x170] =	vst.add.f32.msk $0xffff, v22  }
0x1b7: {  	v22 =	vld [tilespmem:s28+$0x4010]  }
0x1b8: {  	[tilespmem:s28+$0x150] =	vst.add.f32.msk $0xffff, v18  }
0x1b9: {  	v18 =	vld [tilespmem:s28+$0x4030]  }
0x1ba: {  	v19 =	vld [tilespmem:s28+$0x4040]  }
0x1bb: {  	v20 =	vld [tilespmem:s28+$0x4060]  }
0x1bc: {  	v51 =	vadd.f32 v40, v23;
	v23 =	vld [tilespmem:s28+$0x6090]  }
0x1bd: {  	v17 =	vadd.f32 v60, v33;
	v33 =	vld [tilespmem:s28+$0x40E0]  }
0x1be: {  	v16 =	vadd.f32 v62, v36;
	v36 =	vld [tilespmem:s28+$0x4120]  }
0x1bf: {  	v15 =	vadd.f32 v38, v50;
	v38 =	vld [tilespmem:s28+$0x4110]  }
0x1c0: {  	v40 =	vld [tilespmem:s28+$0x2110]  }
0x1c1: {  	v60 =	vld [tilespmem:s28+$0x40D0]  }
0x1c2: {  	v62 =	vld [tilespmem:s28+$0x20C0]  }
0x1c3: {  	v50 =	vld [tilespmem:s28+$0x2070]  }
0x1c4: {  	v26 =	vadd.f32 v53, v46;
	v53 =	vld [tilespmem:s28+$0x2040]  }
0x1c5: {  	v49 =	vadd.f32 v27, v28;
	v28 =	vadd.f32 v55, v45;
	v55 =	vld [tilespmem:s28+$0x4020]  }
0x1c6: {  	v17 =	vadd.f32 v14, v17;
	v14 =	vld [tilespmem:s28+$0x6070]  }
0x1c7: {  	[tilespmem:s28+$0x1A0] =	vst.add.f32.msk $0xffff, v16  }
0x1c8: {  	[tilespmem:s28+$0x140] =	vst.add.f32.msk $0xffff, v51  }
0x1c9: {  	v16 =	vadd.f32 v39, v49;
	v39 =	vld [tilespmem:s28+$0x6100]  }
0x1ca: {  	v15 =	vadd.f32 v41, v15;
	v41 =	vld [tilespmem:s28+$0x6030]  }
0x1cb: {  	v49 =	vld [tilespmem:s28+$0x4070]  }
0x1cc: {  	v51 =	vld [tilespmem:s28+$0x2060]  }
0x1cd: {  	v25 =	vadd.f32 v52, v28;
	v52 =	vld [tilespmem:s28+$0x2050]  }
0x1ce: {  	[tilespmem:s28+$0x1C0] =	vst.add.f32.msk $0xffff, v17  }
0x1cf: {  	v17 =	vld [tilespmem:s28+$0x6050]  }
0x1d0: {  	[tilespmem:s28+$0x160] =	vst.add.f32.msk $0xffff, v16  }
0x1d1: {  	v16 =	vld [tilespmem:s28+$0x60C0]  }
0x1d2: {  	[tilespmem:s28+$0x130] =	vst.add.f32.msk $0xffff, v15  }
0x1d3: {  	v15 =	vld [tilespmem:s28+$0x4050]  }
0x1d4: {  	v47 =	vadd.f32 v63, v44;
	v36 =	vadd.f32 v36, v37;
	v37 =	vld [tilespmem:s28+$0x2100]  }
0x1d5: {  	[tilespmem:s28+$0xA0] =	vst.add.f32.msk $0xffff, v25  }
0x1d6: {  	v24 =	vadd.f32 v24, v48;
	v27 =	vadd.f32 v54, v47;
	v54 =	vld [tilespmem:s28+$0x2030]  }
0x1d7: {  	v33 =	vadd.f32 v33, v59;
	v23 =	vadd.f32 v23, v26;
	v59 =	vld [tilespmem:s28+$0x4000]  }
0x1d8: {  	v21 =	vadd.f32 v21, v24;
	[tilespmem:s28+$0xB0] =	vst.add.f32.msk $0xffff, v27  }
0x1d9: {  	v31 =	vadd.f32 v60, v31;
	[tilespmem:s28+$0x90] =	vst.add.f32.msk $0xffff, v23  }
0x1da: {  	v38 =	vadd.f32 v38, v40;
	[tilespmem:s28+$0x80] =	vst.add.f32.msk $0xffff, v21  }
0x1db: {  	v35 =	vadd.f32 v35, v36;
	v29 =	vadd.f32 v56, v31;
	v56 =	vld [tilespmem:s28+$0x2020]  }
0x1dc: {  	v34 =	vadd.f32 v34, v38;
	v36 =	vadd.f32 v43, v58;
	v58 =	vld [tilespmem:s28+$0x2010]  }
0x1dd: {  	v19 =	vadd.f32 v19, v53;
	v30 =	vadd.f32 v57, v33;
	[tilespmem:s28+$0x120] =	vst.add.f32.msk $0xffff, v35  }
0x1de: {  	[tilespmem:s28+$0x110] =	vst.add.f32.msk $0xffff, v34  }
0x1df: {  	v20 =	vadd.f32 v20, v51;
	v11 =	vadd.f32 v11, v19;
	[tilespmem:s28+$0xE0] =	vst.add.f32.msk $0xffff, v30  }
0x1e0: {  	v60 =	vadd.f32 v49, v50;
	v32 =	vadd.f32 v32, v36;
	[tilespmem:s28+$0xD0] =	vst.add.f32.msk $0xffff, v29  }
0x1e1: {  	v13 =	vadd.f32 v13, v20;
	v15 =	vadd.f32 v15, v52;
	[tilespmem:s28+$0x40] =	vst.add.f32.msk $0xffff, v11  }
0x1e2: {  	v57 =	vadd.f32 v61, v62;
	v14 =	vadd.f32 v14, v60;
	[tilespmem:s28+$0xF0] =	vst.add.f32.msk $0xffff, v32  }
0x1e3: {  	v18 =	vadd.f32 v18, v54;
	[tilespmem:s28+$0x60] =	vst.add.f32.msk $0xffff, v13;
	v15 =	vadd.f32 v17, v15  }
0x1e4: {  	v11 =	vadd.f32 v42, v37;
	v13 =	vadd.f32 v16, v57;
	[tilespmem:s28+$0x70] =	vst.add.f32.msk $0xffff, v14  }
0x1e5: {  	v61 =	vadd.f32 v55, v56;
	v62 =	vadd.f32 v41, v18;
	[tilespmem:s28+$0x50] =	vst.add.f32.msk $0xffff, v15  }
0x1e6: {  	v63 =	vadd.f32 v22, v58;
	v11 =	vadd.f32 v39, v11;
	[tilespmem:s28+$0xC0] =	vst.add.f32.msk $0xffff, v13  }
0x1e7: {  	v10 =	vadd.f32 v59, v10;
	v12 =	vadd.f32 v12, v61;
	[tilespmem:s28+$0x30] =	vst.add.f32.msk $0xffff, v62  }
0x1e8: {  	v9 =	vadd.f32 v9, v63;
	[tilespmem:s28+$0x100] =	vst.add.f32.msk $0xffff, v11  }
0x1e9: {  	v8 =	vadd.f32 v8, v10;
	[tilespmem:s28+$0x20] =	vst.add.f32.msk $0xffff, v12  }
0x1ea: {  	s1 =	simm.s32 $0x0;
	[tilespmem:s28+$0x10] =	vst.add.f32.msk $0xffff, v9  }
.LBB2_14:
0x1eb: {  	s1 =	sadd.s32 $0x4, s1;
	[tilespmem:s28+$0x0] =	vst.add.f32.msk $0xffff, v8;
	s28 =	sadd.s32 $0x200, s28  }
0x1ec: {  	v8 =	vld [tilespmem:s28+$0x6000];
	p3 =	slt.u32 s1, $0x3C  }
0x1ed: {  	v9 =	vld [tilespmem:s28+$0x6010]  }
0x1ee: {  	v10 =	vld [tilespmem:s28+$0x2000]  }
0x1ef: {  	v14 =	vld [tilespmem:s28+$0x61C0]  }
0x1f0: {  	v12 =	vld [tilespmem:s28+$0x61F0]  }
0x1f1: {  	v11 =	vld [tilespmem:s28+$0x41F0]  }
0x1f2: {  	v16 =	vld [tilespmem:s28+$0x6180]  }
0x1f3: {  	v13 =	vld [tilespmem:s28+$0x61E0]  }
0x1f4: {  	v15 =	vld [tilespmem:s28+$0x21F0]  }
0x1f5: {  	v17 =	vld [tilespmem:s28+$0x41E0]  }
0x1f6: {  	v18 =	vld [tilespmem:s28+$0x21E0]  }
0x1f7: {  	v19 =	vld [tilespmem:s28+$0x61B0]  }
0x1f8: {  	v20 =	vld [tilespmem:s28+$0x61D0]  }
0x1f9: {  	v21 =	vld [tilespmem:s28+$0x41D0];
	v15 =	vadd.f32 v11, v15  }
0x1fa: {  	v22 =	vld [tilespmem:s28+$0x21D0]  }
0x1fb: {  	v11 =	vld [tilespmem:s28+$0x6040];
	v17 =	vadd.f32 v17, v18;
	v15 =	vadd.f32 v12, v15  }
0x1fc: {  	v12 =	vld [tilespmem:s28+$0x6060]  }
0x1fd: {  	v13 =	vadd.f32 v13, v17;
	[tilespmem:s28+$0x1F0] =	vst.add.f32.msk $0xffff, v15  }
0x1fe: {  	v15 =	vld [tilespmem:s28+$0x41C0]  }
0x1ff: {  	v17 =	vadd.f32 v21, v22;
	[tilespmem:s28+$0x1E0] =	vst.add.f32.msk $0xffff, v13  }
0x200: {  	v18 =	vld [tilespmem:s28+$0x61A0]  }
0x201: {  	v21 =	vld [tilespmem:s28+$0x6150];
	v13 =	vadd.f32 v20, v17  }
0x202: {  	v17 =	vld [tilespmem:s28+$0x6190]  }
0x203: {  	[tilespmem:s28+$0x1D0] =	vst.add.f32.msk $0xffff, v13  }
0x204: {  	v13 =	vld [tilespmem:s28+$0x21C0]  }
0x205: {  	v20 =	vld [tilespmem:s28+$0x41B0]  }
0x206: {  	v22 =	vld [tilespmem:s28+$0x21B0]  }
0x207: {  	v23 =	vld [tilespmem:s28+$0x41A0]  }
0x208: {  	v24 =	vld [tilespmem:s28+$0x21A0]  }
0x209: {  	v25 =	vld [tilespmem:s28+$0x4190];
	v15 =	vadd.f32 v15, v13  }
0x20a: {  	v26 =	vld [tilespmem:s28+$0x2190]  }
0x20b: {  	v13 =	vld [tilespmem:s28+$0x6020];
	v20 =	vadd.f32 v20, v22;
	v15 =	vadd.f32 v14, v15  }
0x20c: {  	v14 =	vld [tilespmem:s28+$0x6070]  }
0x20d: {  	v22 =	vadd.f32 v23, v24;
	v19 =	vadd.f32 v19, v20;
	[tilespmem:s28+$0x1C0] =	vst.add.f32.msk $0xffff, v15  }
0x20e: {  	v15 =	vld [tilespmem:s28+$0x6050]  }
0x20f: {  	v20 =	vadd.f32 v25, v26;
	v18 =	vadd.f32 v18, v22;
	[tilespmem:s28+$0x1B0] =	vst.add.f32.msk $0xffff, v19  }
0x210: {  	v19 =	vld [tilespmem:s28+$0x4130]  }
0x211: {  	v17 =	vadd.f32 v17, v20;
	[tilespmem:s28+$0x1A0] =	vst.add.f32.msk $0xffff, v18  }
0x212: {  	v18 =	vld [tilespmem:s28+$0x6160]  }
0x213: {  	[tilespmem:s28+$0x190] =	vst.add.f32.msk $0xffff, v17  }
0x214: {  	v20 =	vld [tilespmem:s28+$0x6140]  }
0x215: {  	v22 =	vld [tilespmem:s28+$0x6130]  }
0x216: {  	v17 =	vld [tilespmem:s28+$0x6170]  }
0x217: {  	v23 =	vld [tilespmem:s28+$0x4180]  }
0x218: {  	v24 =	vld [tilespmem:s28+$0x2180]  }
0x219: {  	v25 =	vld [tilespmem:s28+$0x4170]  }
0x21a: {  	v26 =	vld [tilespmem:s28+$0x2170]  }
0x21b: {  	v27 =	vld [tilespmem:s28+$0x4160]  }
0x21c: {  	v28 =	vld [tilespmem:s28+$0x2160]  }
0x21d: {  	v29 =	vld [tilespmem:s28+$0x4150];
	v23 =	vadd.f32 v23, v24  }
0x21e: {  	v24 =	vld [tilespmem:s28+$0x2150]  }
0x21f: {  	v30 =	vld [tilespmem:s28+$0x4140];
	v25 =	vadd.f32 v25, v26;
	v16 =	vadd.f32 v16, v23  }
0x220: {  	v23 =	vld [tilespmem:s28+$0x2140]  }
0x221: {  	v26 =	vadd.f32 v27, v28;
	v17 =	vadd.f32 v17, v25;
	[tilespmem:s28+$0x180] =	vst.add.f32.msk $0xffff, v16  }
0x222: {  	v25 =	vld [tilespmem:s28+$0x2130]  }
0x223: {  	v24 =	vadd.f32 v29, v24;
	v18 =	vadd.f32 v18, v26;
	[tilespmem:s28+$0x170] =	vst.add.f32.msk $0xffff, v17  }
0x224: {  	v16 =	vld [tilespmem:s28+$0x4010]  }
0x225: {  	v23 =	vadd.f32 v30, v23;
	v21 =	vadd.f32 v21, v24;
	[tilespmem:s28+$0x160] =	vst.add.f32.msk $0xffff, v18  }
0x226: {  	v17 =	vld [tilespmem:s28+$0x60C0]  }
0x227: {  	v19 =	vadd.f32 v19, v25;
	v20 =	vadd.f32 v20, v23;
	[tilespmem:s28+$0x150] =	vst.add.f32.msk $0xffff, v21  }
0x228: {  	v18 =	vld [tilespmem:s28+$0x4030]  }
0x229: {  	v21 =	vadd.f32 v22, v19;
	[tilespmem:s28+$0x140] =	vst.add.f32.msk $0xffff, v20  }
0x22a: {  	v19 =	vld [tilespmem:s28+$0x4040]  }
0x22b: {  	[tilespmem:s28+$0x130] =	vst.add.f32.msk $0xffff, v21  }
0x22c: {  	v20 =	vld [tilespmem:s28+$0x4050]  }
0x22d: {  	v21 =	vld [tilespmem:s28+$0x4060]  }
0x22e: {  	v22 =	vld [tilespmem:s28+$0x6080]  }
0x22f: {  	v23 =	vld [tilespmem:s28+$0x6090]  }
0x230: {  	v24 =	vld [tilespmem:s28+$0x4080]  }
0x231: {  	v25 =	vld [tilespmem:s28+$0x60A0]  }
0x232: {  	v26 =	vld [tilespmem:s28+$0x4090]  }
0x233: {  	v27 =	vld [tilespmem:s28+$0x60B0]  }
0x234: {  	v28 =	vld [tilespmem:s28+$0x40A0]  }
0x235: {  	v29 =	vld [tilespmem:s28+$0x60D0]  }
0x236: {  	v30 =	vld [tilespmem:s28+$0x60E0]  }
0x237: {  	v31 =	vld [tilespmem:s28+$0x20D0]  }
0x238: {  	v32 =	vld [tilespmem:s28+$0x60F0]  }
0x239: {  	v33 =	vld [tilespmem:s28+$0x40E0]  }
0x23a: {  	v34 =	vld [tilespmem:s28+$0x6110]  }
0x23b: {  	v35 =	vld [tilespmem:s28+$0x6120]  }
0x23c: {  	v36 =	vld [tilespmem:s28+$0x4120]  }
0x23d: {  	v37 =	vld [tilespmem:s28+$0x2120]  }
0x23e: {  	v38 =	vld [tilespmem:s28+$0x4110]  }
0x23f: {  	v39 =	vld [tilespmem:s28+$0x6100]  }
0x240: {  	v40 =	vld [tilespmem:s28+$0x2110]  }
0x241: {  	v41 =	vld [tilespmem:s28+$0x6030]  }
0x242: {  	v42 =	vld [tilespmem:s28+$0x4100];
	v36 =	vadd.f32 v36, v37  }
0x243: {  	v37 =	vld [tilespmem:s28+$0x2100]  }
0x244: {  	v43 =	vld [tilespmem:s28+$0x40F0];
	v35 =	vadd.f32 v35, v36  }
0x245: {  	v36 =	vld [tilespmem:s28+$0x20F0];
	v38 =	vadd.f32 v38, v40  }
0x246: {  	[tilespmem:s28+$0x120] =	vst.add.f32.msk $0xffff, v35  }
0x247: {  	v35 =	vld [tilespmem:s28+$0x20E0];
	v34 =	vadd.f32 v34, v38  }
0x248: {  	v38 =	vld [tilespmem:s28+$0x40D0];
	v37 =	vadd.f32 v42, v37  }
0x249: {  	[tilespmem:s28+$0x110] =	vst.add.f32.msk $0xffff, v34  }
0x24a: {  	v34 =	vld [tilespmem:s28+$0x40C0];
	v36 =	vadd.f32 v43, v36;
	v37 =	vadd.f32 v39, v37  }
0x24b: {  	v39 =	vld [tilespmem:s28+$0x20C0]  }
0x24c: {  	v40 =	vld [tilespmem:s28+$0x40B0];
	v33 =	vadd.f32 v33, v35;
	v32 =	vadd.f32 v32, v36  }
0x24d: {  	v35 =	vld [tilespmem:s28+$0x20B0]  }
0x24e: {  	v31 =	vadd.f32 v38, v31;
	v30 =	vadd.f32 v30, v33;
	[tilespmem:s28+$0xF0] =	vst.add.f32.msk $0xffff, v32  }
0x24f: {  	v32 =	vld [tilespmem:s28+$0x20A0]  }
0x250: {  	v29 =	vadd.f32 v29, v31;
	v33 =	vadd.f32 v34, v39;
	[tilespmem:s28+$0xE0] =	vst.add.f32.msk $0xffff, v30  }
0x251: {  	v30 =	vld [tilespmem:s28+$0x2090]  }
0x252: {  	v31 =	vadd.f32 v40, v35;
	[tilespmem:s28+$0xD0] =	vst.add.f32.msk $0xffff, v29  }
0x253: {  	v29 =	vld [tilespmem:s28+$0x2080]  }
0x254: {  	v34 =	vld [tilespmem:s28+$0x4070];
	v28 =	vadd.f32 v28, v32;
	v27 =	vadd.f32 v27, v31  }
0x255: {  	v31 =	vld [tilespmem:s28+$0x2070]  }
0x256: {  	v26 =	vadd.f32 v26, v30;
	v25 =	vadd.f32 v25, v28;
	[tilespmem:s28+$0xB0] =	vst.add.f32.msk $0xffff, v27  }
0x257: {  	v27 =	vld [tilespmem:s28+$0x2060]  }
0x258: {  	v24 =	vadd.f32 v24, v29;
	v23 =	vadd.f32 v23, v26;
	[tilespmem:s28+$0xA0] =	vst.add.f32.msk $0xffff, v25  }
0x259: {  	v25 =	vld [tilespmem:s28+$0x2050]  }
0x25a: {  	v26 =	vadd.f32 v34, v31;
	v22 =	vadd.f32 v22, v24;
	[tilespmem:s28+$0x90] =	vst.add.f32.msk $0xffff, v23  }
0x25b: {  	v23 =	vld [tilespmem:s28+$0x2040]  }
0x25c: {  	v21 =	vadd.f32 v21, v27;
	[tilespmem:s28+$0x80] =	vst.add.f32.msk $0xffff, v22  }
0x25d: {  	v22 =	vld [tilespmem:s28+$0x2030]  }
0x25e: {  	v24 =	vld [tilespmem:s28+$0x4020];
	v20 =	vadd.f32 v20, v25;
	v12 =	vadd.f32 v12, v21  }
0x25f: {  	v21 =	vld [tilespmem:s28+$0x2020]  }
0x260: {  	v19 =	vadd.f32 v19, v23;
	[tilespmem:s28+$0x60] =	vst.add.f32.msk $0xffff, v12  }
0x261: {  	v15 =	vadd.f32 v15, v20;
	v12 =	vld [tilespmem:s28+$0x2010]  }
0x262: {  	v20 =	vld [tilespmem:s28+$0x4000];
	v18 =	vadd.f32 v18, v22;
	v11 =	vadd.f32 v11, v19  }
0x263: {  	[tilespmem:s28+$0x50] =	vst.add.f32.msk $0xffff, v15;
	v15 =	vadd.f32 v17, v33  }
0x264: {  	v17 =	vadd.f32 v24, v21;
	v18 =	vadd.f32 v41, v18;
	[tilespmem:s28+$0x40] =	vst.add.f32.msk $0xffff, v11  }
0x265: {  	v11 =	vadd.f32 v14, v26;
	[tilespmem:s28+$0xC0] =	vst.add.f32.msk $0xffff, v15  }
.Ltmp7:
0x266: {  	v12 =	vadd.f32 v16, v12;
	v13 =	vadd.f32 v13, v17;
	[tilespmem:s28+$0x30] =	vst.add.f32.msk $0xffff, v18;
	(pc) =	sbr.rel @p3 .LBB2_14-.Ltmp7, $4  }
0x267: {  	v10 =	vadd.f32 v20, v10;
	[tilespmem:s28+$0x70] =	vst.add.f32.msk $0xffff, v11  }
0x268: {  	v9 =	vadd.f32 v9, v12;
	[tilespmem:s28+$0x20] =	vst.add.f32.msk $0xffff, v13  }
0x269: {  	v8 =	vadd.f32 v8, v10;
	[tilespmem:s28+$0x100] =	vst.add.f32.msk $0xffff, v37  }
0x26a: {  	[tilespmem:s28+$0x10] =	vst.add.f32.msk $0xffff, v9  }
0x26b: {  	p3 =	sne.s32 s24, $0x190  }
.Ltmp8:
0x26c: {  	s1 =	sshll.u32 s31, $0xD;
	(pc) =	sbr.rel @p3 .LBB2_7-.Ltmp8, $4  }
0x26d: {  	s1 =	sadd.s32 s15, s1  }
0x26e: {  	s0 =	sor.u32 $0x600, s0;
	s1 =	sshrl.u32 s1, $0x3  }
0x26f: {  	[tilespmem:s28+$0x0] =	vst.add.f32.msk $0xffff, v8;
	s2 =	sadd.s32 $0x5, s10;
	s31 =	smov.u32 s24;
	s1 =	sadd.s32 s5, s1  }
0x270: {  	[hbm4b:s1+s11] =	stream.linear.scatter [tilespmem:s0], [sflag:s2], $0x2000, $0x38;
	[tilespmem:$0x18300] =	vst v63  }
0x271: {  	s30 =	sadd.s32 $0x1, s30  }
0x272: {  	_ =	swait.ge [sflag:s29], $0x2000;
	p3 =	sne.s32 s30, s16  }
.Ltmp9:
0x273: {  	[sflag:s29] =	ssyncset.done $0x0;
	(pc) =	sbr.rel @p3 .LBB2_1-.Ltmp9, $4  }
0x274: {  	[sflag:s29] =	ssyncadd.s32 $0xFFFFE000  }
0x275: {  	_ =	swait.ge [sflag:s26], $0x2000  }
0x276: {  	[sflag:s26] =	ssyncset.done $0x0  }
0x277: {  	[sflag:s26] =	ssyncadd.s32 $0xFFFFE000  }
0x278: {  	_ =	sfence.sel $0x180000  }
0x279: {  	[bflag:$0x0] =	sbarrier.arrive $0xFFFF  }
0x27a: {  	_ =	strace $0x90000047  }
0x27b: {  	s0 =	stileid.u32;
	[bflag:$0x2] =	sbarrier.arrive $0xFFFF  }
0x27c: {  	p0 =	sne.s32 s0, $0x0;
	s0 =	rddreg [dreg:$0xa]  }
0x27d: {  	s0 =	sadd.s32 @!p0 $0x100000, s0  }
0x27e: {  	[sflag:s0] =	ssyncadd.tile.s32 @!p0 $0x1;
	_ =	shalt  }
.Lfunc_end2:
_tile_overlayer_lowered:
.L_overlay_start_2:
0x27f: {  	(tag) =	ssettag $0x2  }
0x280: {  	s0 =	rddreg [dreg:$0x0];
	s2 =	stileid.u32  }
0x281: {  	s1 =	rddreg [dreg:$0x1];
	p0 =	sne.s32 s2, $0x0  }
0x282: {  	s3 =	rddreg [dreg:$0x2];
	[bflag:$0x3] =	sbarrier.arrive $0xFFFF;
	s2 =	simm.s32 @!p0 $0x1C07  }
0x283: {  	[timem:s3], [sflag:s2] =	dma.local @!p0 [hbm:s0], s1  }
0x284: {  	s0 =	simm.s32 @!p0 $0x7  }
0x285: {  	_ =	swait.ge @!p0 [sflag:s0], s1  }
0x286: {  	s1 =	ssub.s32 @!p0 $0x0, s1;
	[sflag:s0] =	ssyncset.done @!p0 $0x0  }
0x287: {  	[sflag:s0] =	ssyncadd.s32 @!p0 s1  }
0x288: {  	[bflag:$0x3] =	sbarrier.arrive $0xFFFF  }
0x289: {  	_ =	shalt  }

</sc_bundles>
